<compile_context>
chip_gen: v7x
topology: tpu7x:2x2x1
jax: 0.10.2.dev20260603
libtpu: 0.0.44.dev20260713+nightly
codegen_flags: <defaults>
</compile_context>

<pallas_src>
import jax
import jax.numpy as jnp
from jax import lax
from jax.experimental import pallas as pl
from jax.experimental.pallas import tpu as pltpu
from jax.experimental.pallas import tpu_sc as plsc

B = 1_000_000
H = 128
NE = 100
NC_CHG = 5
NMOL = 32768

NCORES = 2
NSUB = 16
NW = NCORES * NSUB

NB = 80
D = 4
NUM_BLOCKS = B // NB
SLOTS = 392


def _fuse_body(a_ref, c_ref, o_ref):
    o_ref[...] = a_ref[...][:, None, :] + c_ref[...][None, :, :]


def _fused_table(atom_emb, charge_emb):
    out3 = pl.pallas_call(
        _fuse_body,
        out_shape=jax.ShapeDtypeStruct((NE, NC_CHG, H), jnp.float32),
    )(atom_emb, charge_emb)
    return out3.reshape(NE * NC_CHG, H)


def _sc_body(z_hbm, batch_hbm, charge_hbm, fused_hbm, out_hbm,
             chg_v, z_v0, z_v1, z_v2, z_v3, b_v0, b_v1, b_v2, b_v3,
             idx_v0, idx_v1, idx_v2, idx_v3,
             rows_v0, rows_v1, rows_v2, rows_v3, fused_sh,
             sem_g0, sem_g1, sem_g2, sem_g3,
             sem_o0, sem_o1, sem_o2, sem_o3,
             sem_i0, sem_i1, sem_i2, sem_i3):
    wid = lax.axis_index("s") * NCORES + lax.axis_index("c")
    z_v = (z_v0, z_v1, z_v2, z_v3)
    b_v = (b_v0, b_v1, b_v2, b_v3)
    idx_v = (idx_v0, idx_v1, idx_v2, idx_v3)
    rows_v = (rows_v0, rows_v1, rows_v2, rows_v3)
    sem_g = (sem_g0, sem_g1, sem_g2, sem_g3)
    sem_o = (sem_o0, sem_o1, sem_o2, sem_o3)
    sem_i = (sem_i0, sem_i1, sem_i2, sem_i3)

    def bid_of(t):
        return jnp.minimum(wid + t * NW, NUM_BLOCKS - 1)

    def fire_i(t, par):
        base = bid_of(t) * NB
        pltpu.async_copy(z_hbm.at[pl.ds(base, NB)], z_v[par], sem_i[par])
        pltpu.async_copy(batch_hbm.at[pl.ds(base, NB)], b_v[par],
                         sem_i[par])

    def compute(t, par):
        base = bid_of(t) * NB
        pltpu.make_async_copy(z_hbm.at[pl.ds(base, NB)], z_v[par],
                              sem_i[par]).wait()
        pltpu.make_async_copy(batch_hbm.at[pl.ds(base, NB)], b_v[par],
                              sem_i[par]).wait()
        for m in range(NB // 16):
            s = pl.ds(m * 16, 16)
            z16 = z_v[par][s]
            b16 = b_v[par][s]
            ch16 = plsc.load_gather(chg_v, [b16])
            idx_v[par][s] = (z16 - 1) * NC_CHG + ch16

    def fire_g(par):
        pltpu.async_copy(fused_sh.at[idx_v[par]], rows_v[par], sem_g[par])

    def wait_g(par):
        pltpu.make_async_copy(fused_sh.at[idx_v[par]], rows_v[par],
                              sem_g[par]).wait()

    def fire_w(t, par):
        base = bid_of(t) * NB
        pltpu.async_copy(rows_v[par], out_hbm.at[pl.ds(base, NB)],
                         sem_o[par])

    def wait_w(t, par):
        base = bid_of(t) * NB
        pltpu.make_async_copy(rows_v[par], out_hbm.at[pl.ds(base, NB)],
                              sem_o[par]).wait()

    fire_i(0, 0)
    fire_i(1, 1)
    @pl.when(lax.axis_index("s") == 0)
    def _():
        pltpu.sync_copy(fused_hbm, fused_sh)

    pltpu.sync_copy(charge_hbm, chg_v)
    compute(0, 0)
    plsc.subcore_barrier()
    fire_g(0)
    fire_i(2, 2)
    compute(1, 1)
    fire_g(1)
    fire_i(3, 3)
    compute(2, 2)
    fire_g(2)
    fire_i(4, 0)
    wait_g(0)
    fire_w(0, 0)
    compute(3, 3)
    fire_g(3)
    fire_i(5, 1)
    wait_g(1)
    fire_w(1, 1)
    compute(4, 0)

    def loop_body(q, carry):
        for r in range(D):
            t = 4 * q + r
            par = r
            wait_w(t - 4, par)
            fire_g(par)
            fire_i(t + 2, (r + 2) % D)
            wait_g((r - 2) % D)
            fire_w(t - 2, (r - 2) % D)
            compute(t + 1, (r + 1) % D)
        return carry

    lax.fori_loop(1, SLOTS // D, loop_body, 0)

    wait_g((SLOTS - 2) % D)
    fire_w(SLOTS - 2, (SLOTS - 2) % D)
    wait_g((SLOTS - 1) % D)
    fire_w(SLOTS - 1, (SLOTS - 1) % D)
    wait_w(SLOTS - 4, 0)
    wait_w(SLOTS - 3, 1)
    wait_w(SLOTS - 2, 2)
    wait_w(SLOTS - 1, 3)


@jax.jit
def kernel(z, charge, batch, atom_emb, charge_emb):
    fused = _fused_table(atom_emb, charge_emb)
    mesh = plsc.VectorSubcoreMesh(core_axis_name="c", subcore_axis_name="s")
    sc = pl.kernel(
        _sc_body,
        out_type=jax.ShapeDtypeStruct((B, H), jnp.float32),
        mesh=mesh,
        compiler_params=pltpu.CompilerParams(needs_layout_passes=False),
        scratch_types=(
            [pltpu.VMEM((NMOL,), jnp.int32)]
            + [pltpu.VMEM((NB,), jnp.int32) for _ in range(8)]
            + [pltpu.VMEM((NB,), jnp.int32) for _ in range(4)]
            + [pltpu.VMEM((NB, H), jnp.float32) for _ in range(4)]
            + [pltpu.VMEM_SHARED((NE * NC_CHG, H), jnp.float32)]
            + [pltpu.SemaphoreType.DMA for _ in range(12)]
        ),
    )
    return sc(z.astype(jnp.int32), batch.astype(jnp.int32),
              charge.astype(jnp.int32), fused)

# --- scband reference (transcript-rebuilt; emitter-appended) ---
"""Pipeline reference for scband-dual-embedding-71390946394546 (READ-ONLY COPY).

The authoritative reference and input builder live on the scoring server;
editing this copy changes nothing except your own understanding.
"""

import jax, jax.numpy as jnp
import numpy as np

N_ATOMS = 1000000
N_MOLS = 32768
NUM_ELEMENTS = 100
NUM_CHARGES = 5
HIDDEN = 128

def _xavier_uniform(key, shape):
    fan_in, fan_out = shape[0], shape[1]
    limit = jnp.sqrt(6.0 / (fan_in + fan_out))
    return jax.random.uniform(key, shape, minval=-limit, maxval=limit, dtype=jnp.float32)

def setup_inputs(seed: int = 0) -> dict:
    key = jax.random.key(seed)
    k1, k2, k3, k4, k5 = jax.random.split(key, 5)
    # atomic numbers are 1-indexed (z - 1 is used as the embedding index),
    # so draw from [1, NUM_ELEMENTS)
    z = jax.random.randint(k1, (N_ATOMS,), 1, NUM_ELEMENTS)
    charge = jax.random.randint(k2, (N_MOLS,), 0, NUM_CHARGES)
    batch = jnp.sort(jax.random.randint(k3, (N_ATOMS,), 0, N_MOLS))
    atom_emb = _xavier_uniform(k4, (NUM_ELEMENTS, HIDDEN))
    charge_emb = _xavier_uniform(k5, (NUM_CHARGES, HIDDEN))
    return {"z": z, "charge": charge, "batch": batch, "atom_emb": atom_emb, "charge_emb": charge_emb}

def reference(z, charge, batch, atom_emb, charge_emb):
    h_atom = jnp.take(atom_emb, z - 1, axis=0)
    h_charge_per_mol = jnp.take(charge_emb, charge, axis=0)
    h_charge = jnp.take(h_charge_per_mol, batch, axis=0)
    return h_atom + h_charge

if __name__ == "__main__":
    import jax
    _d = setup_inputs()
    print(jax.jit(kernel)(*tuple(_d.values())))

</pallas_src>

<mosaic_0001>
#map = affine_map<(d0, d1) -> (0)>
#map1 = affine_map<(d0, d1) -> (0, 0)>
module attributes {stable_mosaic.version = 14 : i64} {
  func.func @_sc_body(%arg0: i32, %arg1: i32, %arg2: memref<1000000xi32, #tpu.memory_space<hbm>>, %arg3: memref<1000000xi32, #tpu.memory_space<hbm>>, %arg4: memref<32768xi32, #tpu.memory_space<hbm>>, %arg5: memref<500x128xf32, #tpu.memory_space<hbm>>, %arg6: memref<1000000x128xf32, #tpu.memory_space<hbm>>, %arg7: memref<32768xi32, #tpu.memory_space<vmem>>, %arg8: memref<80xi32, #tpu.memory_space<vmem>>, %arg9: memref<80xi32, #tpu.memory_space<vmem>>, %arg10: memref<80xi32, #tpu.memory_space<vmem>>, %arg11: memref<80xi32, #tpu.memory_space<vmem>>, %arg12: memref<80xi32, #tpu.memory_space<vmem>>, %arg13: memref<80xi32, #tpu.memory_space<vmem>>, %arg14: memref<80xi32, #tpu.memory_space<vmem>>, %arg15: memref<80xi32, #tpu.memory_space<vmem>>, %arg16: memref<80xi32, #tpu.memory_space<vmem>>, %arg17: memref<80xi32, #tpu.memory_space<vmem>>, %arg18: memref<80xi32, #tpu.memory_space<vmem>>, %arg19: memref<80xi32, #tpu.memory_space<vmem>>, %arg20: memref<80x128xf32, #tpu.memory_space<vmem>>, %arg21: memref<80x128xf32, #tpu.memory_space<vmem>>, %arg22: memref<80x128xf32, #tpu.memory_space<vmem>>, %arg23: memref<80x128xf32, #tpu.memory_space<vmem>>, %arg24: memref<500x128xf32, #tpu.memory_space<vmem_shared>>, %arg25: memref<!tpu.dma_semaphore, #tpu.memory_space<semaphore_mem>>, %arg26: memref<!tpu.dma_semaphore, #tpu.memory_space<semaphore_mem>>, %arg27: memref<!tpu.dma_semaphore, #tpu.memory_space<semaphore_mem>>, %arg28: memref<!tpu.dma_semaphore, #tpu.memory_space<semaphore_mem>>, %arg29: memref<!tpu.dma_semaphore, #tpu.memory_space<semaphore_mem>>, %arg30: memref<!tpu.dma_semaphore, #tpu.memory_space<semaphore_mem>>, %arg31: memref<!tpu.dma_semaphore, #tpu.memory_space<semaphore_mem>>, %arg32: memref<!tpu.dma_semaphore, #tpu.memory_space<semaphore_mem>>, %arg33: memref<!tpu.dma_semaphore, #tpu.memory_space<semaphore_mem>>, %arg34: memref<!tpu.dma_semaphore, #tpu.memory_space<semaphore_mem>>, %arg35: memref<!tpu.dma_semaphore, #tpu.memory_space<semaphore_mem>>, %arg36: memref<!tpu.dma_semaphore, #tpu.memory_space<semaphore_mem>>) attributes {dimension_semantics = [#tpu.dimension_semantics<core_parallel>, #tpu.dimension_semantics<subcore_parallel>], iteration_bounds = array<i64: 2, 16>, scalar_prefetch = 0 : i64, scratch_operands = 30 : i64, tpu.core_type = #tpu.core_type<sc_vector_subcore>, window_params = [{transform_indices = #map}, {transform_indices = #map}, {transform_indices = #map}, {transform_indices = #map1}, {transform_indices = #map1}]} {
    %mul3A = arith.constant 2 : i32
    %mul3A_0 = arith.muli %arg1, %mul3A : i32
    %add3A = arith.addi %mul3A_0, %arg0 : i32
    %add3A_1 = arith.constant 0 : i32
    %add3A_2 = arith.addi %add3A, %add3A_1 : i32
    %min3A = arith.constant 12499 : i32
    %min3A_3 = arith.minsi %add3A_2, %min3A : i32
    %mul3A_4 = arith.constant 80 : i32
    %mul3A_5 = arith.muli %min3A_3, %mul3A_4 : i32
    %dma_start3A = tpu.memref_slice %arg2[%mul3A_5] : memref<1000000xi32, #tpu.memory_space<hbm>> -> memref<80xi32, #tpu.memory_space<hbm>>
    %dma_start3A_6 = tpu.memref_slice %arg2[%mul3A_5] : memref<1000000xi32, #tpu.memory_space<hbm>> -> memref<80xi32, #tpu.memory_space<hbm>>
    tpu.enqueue_dma source(%dma_start3A_6 : memref<80xi32, #tpu.memory_space<hbm>>) target(%arg8 : memref<80xi32, #tpu.memory_space<vmem>>) target_semaphore(%arg33 : memref<!tpu.dma_semaphore, #tpu.memory_space<semaphore_mem>>)
    %dma_start3A_7 = tpu.memref_slice %arg3[%mul3A_5] : memref<1000000xi32, #tpu.memory_space<hbm>> -> memref<80xi32, #tpu.memory_space<hbm>>
    %dma_start3A_8 = tpu.memref_slice %arg3[%mul3A_5] : memref<1000000xi32, #tpu.memory_space<hbm>> -> memref<80xi32, #tpu.memory_space<hbm>>
    tpu.enqueue_dma source(%dma_start3A_8 : memref<80xi32, #tpu.memory_space<hbm>>) target(%arg12 : memref<80xi32, #tpu.memory_space<vmem>>) target_semaphore(%arg33 : memref<!tpu.dma_semaphore, #tpu.memory_space<semaphore_mem>>)
    %add3A_9 = arith.constant 32 : i32
    %add3A_10 = arith.addi %add3A, %add3A_9 : i32
    %min3A_11 = arith.constant 12499 : i32
    %min3A_12 = arith.minsi %add3A_10, %min3A_11 : i32
    %mul3A_13 = arith.constant 80 : i32
    %mul3A_14 = arith.muli %min3A_12, %mul3A_13 : i32
    %dma_start3A_15 = tpu.memref_slice %arg2[%mul3A_14] : memref<1000000xi32, #tpu.memory_space<hbm>> -> memref<80xi32, #tpu.memory_space<hbm>>
    %dma_start3A_16 = tpu.memref_slice %arg2[%mul3A_14] : memref<1000000xi32, #tpu.memory_space<hbm>> -> memref<80xi32, #tpu.memory_space<hbm>>
    tpu.enqueue_dma source(%dma_start3A_16 : memref<80xi32, #tpu.memory_space<hbm>>) target(%arg9 : memref<80xi32, #tpu.memory_space<vmem>>) target_semaphore(%arg34 : memref<!tpu.dma_semaphore, #tpu.memory_space<semaphore_mem>>)
    %dma_start3A_17 = tpu.memref_slice %arg3[%mul3A_14] : memref<1000000xi32, #tpu.memory_space<hbm>> -> memref<80xi32, #tpu.memory_space<hbm>>
    %dma_start3A_18 = tpu.memref_slice %arg3[%mul3A_14] : memref<1000000xi32, #tpu.memory_space<hbm>> -> memref<80xi32, #tpu.memory_space<hbm>>
    tpu.enqueue_dma source(%dma_start3A_18 : memref<80xi32, #tpu.memory_space<hbm>>) target(%arg13 : memref<80xi32, #tpu.memory_space<vmem>>) target_semaphore(%arg34 : memref<!tpu.dma_semaphore, #tpu.memory_space<semaphore_mem>>)
    %eq3A = arith.constant 0 : i32
    %eq3A_19 = arith.cmpi eq, %arg1, %eq3A : i32
    %convert_element_type3A = arith.extui %eq3A_19 : i1 to i32
    %cond3A = arith.constant 0 : i32
    %cond3A_20 = arith.cmpi ne, %convert_element_type3A, %cond3A : i32
    scf.if %cond3A_20 {
      "tpu.region"() ({
        %run_scoped3A = tpu.sem_alloc : memref<!tpu.dma_semaphore, #tpu.memory_space<semaphore_mem>>
        tpu.enqueue_dma source(%arg5 : memref<500x128xf32, #tpu.memory_space<hbm>>) target(%arg24 : memref<500x128xf32, #tpu.memory_space<vmem_shared>>) target_semaphore(%run_scoped3A : memref<!tpu.dma_semaphore, #tpu.memory_space<semaphore_mem>>)
        tpu.wait_dma2 semaphore(%run_scoped3A : memref<!tpu.dma_semaphore, #tpu.memory_space<semaphore_mem>>) src(%arg5 : memref<500x128xf32, #tpu.memory_space<hbm>>) dst(%arg24 : memref<500x128xf32, #tpu.memory_space<vmem_shared>>)
        tpu.yield
      }) : () -> ()
    } else {
    }
    "tpu.region"() ({
      %run_scoped3A = tpu.sem_alloc : memref<!tpu.dma_semaphore, #tpu.memory_space<semaphore_mem>>
      tpu.enqueue_dma source(%arg4 : memref<32768xi32, #tpu.memory_space<hbm>>) target(%arg7 : memref<32768xi32, #tpu.memory_space<vmem>>) target_semaphore(%run_scoped3A : memref<!tpu.dma_semaphore, #tpu.memory_space<semaphore_mem>>)
      tpu.wait_dma2 semaphore(%run_scoped3A : memref<!tpu.dma_semaphore, #tpu.memory_space<semaphore_mem>>) src(%arg4 : memref<32768xi32, #tpu.memory_space<hbm>>) dst(%arg7 : memref<32768xi32, #tpu.memory_space<vmem>>)
      tpu.yield
    }) : () -> ()
    %add3A_21 = arith.constant 0 : i32
    %add3A_22 = arith.addi %add3A, %add3A_21 : i32
    %min3A_23 = arith.constant 12499 : i32
    %min3A_24 = arith.minsi %add3A_22, %min3A_23 : i32
    %mul3A_25 = arith.constant 80 : i32
    %mul3A_26 = arith.muli %min3A_24, %mul3A_25 : i32
    %dma_wait3A = tpu.memref_slice %arg2[%mul3A_26] : memref<1000000xi32, #tpu.memory_space<hbm>> -> memref<80xi32, #tpu.memory_space<hbm>>
    %dma_wait3A_27 = tpu.memref_slice %arg2[%mul3A_26] : memref<1000000xi32, #tpu.memory_space<hbm>> -> memref<80xi32, #tpu.memory_space<hbm>>
    tpu.wait_dma2 semaphore(%arg33 : memref<!tpu.dma_semaphore, #tpu.memory_space<semaphore_mem>>) src(%dma_wait3A_27 : memref<80xi32, #tpu.memory_space<hbm>>) dst(%arg8 : memref<80xi32, #tpu.memory_space<vmem>>)
    %dma_wait3A_28 = tpu.memref_slice %arg3[%mul3A_26] : memref<1000000xi32, #tpu.memory_space<hbm>> -> memref<80xi32, #tpu.memory_space<hbm>>
    %dma_wait3A_29 = tpu.memref_slice %arg3[%mul3A_26] : memref<1000000xi32, #tpu.memory_space<hbm>> -> memref<80xi32, #tpu.memory_space<hbm>>
    tpu.wait_dma2 semaphore(%arg33 : memref<!tpu.dma_semaphore, #tpu.memory_space<semaphore_mem>>) src(%dma_wait3A_29 : memref<80xi32, #tpu.memory_space<hbm>>) dst(%arg12 : memref<80xi32, #tpu.memory_space<vmem>>)
    %get3A = arith.constant 0 : index
    %get3A_30 = tpu.vector_load %arg8[%get3A] {strides = array<i32>} : memref<80xi32, #tpu.memory_space<vmem>>, vector<16xi32>,
    %get3A_31 = arith.constant 0 : index
    %get3A_32 = tpu.vector_load %arg12[%get3A_31] {strides = array<i32>} : memref<80xi32, #tpu.memory_space<vmem>>, vector<16xi32>,
    %gather3A = tpu.vector_load_idx %arg7[%get3A_32] : memref<32768xi32, #tpu.memory_space<vmem>>[vector<16xi32>], vector<16xi32>,
    %sub3A = arith.constant 1 : i32
    %sub3A_33 = vector.broadcast %sub3A : i32 to vector<16xi32>
    %sub3A_34 = arith.subi %get3A_30, %sub3A_33 : vector<16xi32>
    %mul3A_35 = arith.constant 5 : i32
    %mul3A_36 = vector.broadcast %mul3A_35 : i32 to vector<16xi32>
    %mul3A_37 = arith.muli %sub3A_34, %mul3A_36 : vector<16xi32>
    %add3A_38 = arith.addi %mul3A_37, %gather3A : vector<16xi32>
    %swap3A = arith.constant 0 : index
    %swap3A_39 = tpu.vector_load %arg16[%swap3A] {strides = array<i32>} : memref<80xi32, #tpu.memory_space<vmem>>, vector<16xi32>,
    tpu.vector_store %arg16[%swap3A], %add3A_38 {strides = array<i32>} : memref<80xi32, #tpu.memory_space<vmem>>, vector<16xi32>,
    %get3A_40 = arith.constant 16 : index
    %get3A_41 = tpu.vector_load %arg8[%get3A_40] {strides = array<i32>} : memref<80xi32, #tpu.memory_space<vmem>>, vector<16xi32>,
    %get3A_42 = arith.constant 16 : index
    %get3A_43 = tpu.vector_load %arg12[%get3A_42] {strides = array<i32>} : memref<80xi32, #tpu.memory_space<vmem>>, vector<16xi32>,
    %gather3A_44 = tpu.vector_load_idx %arg7[%get3A_43] : memref<32768xi32, #tpu.memory_space<vmem>>[vector<16xi32>], vector<16xi32>,
    %sub3A_45 = arith.constant 1 : i32
    %sub3A_46 = vector.broadcast %sub3A_45 : i32 to vector<16xi32>
    %sub3A_47 = arith.subi %get3A_41, %sub3A_46 : vector<16xi32>
    %mul3A_48 = arith.constant 5 : i32
    %mul3A_49 = vector.broadcast %mul3A_48 : i32 to vector<16xi32>
    %mul3A_50 = arith.muli %sub3A_47, %mul3A_49 : vector<16xi32>
    %add3A_51 = arith.addi %mul3A_50, %gather3A_44 : vector<16xi32>
    %swap3A_52 = arith.constant 16 : index
    %swap3A_53 = tpu.vector_load %arg16[%swap3A_52] {strides = array<i32>} : memref<80xi32, #tpu.memory_space<vmem>>, vector<16xi32>,
    tpu.vector_store %arg16[%swap3A_52], %add3A_51 {strides = array<i32>} : memref<80xi32, #tpu.memory_space<vmem>>, vector<16xi32>,
    %get3A_54 = arith.constant 32 : index
    %get3A_55 = tpu.vector_load %arg8[%get3A_54] {strides = array<i32>} : memref<80xi32, #tpu.memory_space<vmem>>, vector<16xi32>,
    %get3A_56 = arith.constant 32 : index
    %get3A_57 = tpu.vector_load %arg12[%get3A_56] {strides = array<i32>} : memref<80xi32, #tpu.memory_space<vmem>>, vector<16xi32>,
    %gather3A_58 = tpu.vector_load_idx %arg7[%get3A_57] : memref<32768xi32, #tpu.memory_space<vmem>>[vector<16xi32>], vector<16xi32>,
    %sub3A_59 = arith.constant 1 : i32
    %sub3A_60 = vector.broadcast %sub3A_59 : i32 to vector<16xi32>
    %sub3A_61 = arith.subi %get3A_55, %sub3A_60 : vector<16xi32>
    %mul3A_62 = arith.constant 5 : i32
    %mul3A_63 = vector.broadcast %mul3A_62 : i32 to vector<16xi32>
    %mul3A_64 = arith.muli %sub3A_61, %mul3A_63 : vector<16xi32>
    %add3A_65 = arith.addi %mul3A_64, %gather3A_58 : vector<16xi32>
    %swap3A_66 = arith.constant 32 : index
    %swap3A_67 = tpu.vector_load %arg16[%swap3A_66] {strides = array<i32>} : memref<80xi32, #tpu.memory_space<vmem>>, vector<16xi32>,
    tpu.vector_store %arg16[%swap3A_66], %add3A_65 {strides = array<i32>} : memref<80xi32, #tpu.memory_space<vmem>>, vector<16xi32>,
    %get3A_68 = arith.constant 48 : index
    %get3A_69 = tpu.vector_load %arg8[%get3A_68] {strides = array<i32>} : memref<80xi32, #tpu.memory_space<vmem>>, vector<16xi32>,
    %get3A_70 = arith.constant 48 : index
    %get3A_71 = tpu.vector_load %arg12[%get3A_70] {strides = array<i32>} : memref<80xi32, #tpu.memory_space<vmem>>, vector<16xi32>,
    %gather3A_72 = tpu.vector_load_idx %arg7[%get3A_71] : memref<32768xi32, #tpu.memory_space<vmem>>[vector<16xi32>], vector<16xi32>,
    %sub3A_73 = arith.constant 1 : i32
    %sub3A_74 = vector.broadcast %sub3A_73 : i32 to vector<16xi32>
    %sub3A_75 = arith.subi %get3A_69, %sub3A_74 : vector<16xi32>
    %mul3A_76 = arith.constant 5 : i32
    %mul3A_77 = vector.broadcast %mul3A_76 : i32 to vector<16xi32>
    %mul3A_78 = arith.muli %sub3A_75, %mul3A_77 : vector<16xi32>
    %add3A_79 = arith.addi %mul3A_78, %gather3A_72 : vector<16xi32>
    %swap3A_80 = arith.constant 48 : index
    %swap3A_81 = tpu.vector_load %arg16[%swap3A_80] {strides = array<i32>} : memref<80xi32, #tpu.memory_space<vmem>>, vector<16xi32>,
    tpu.vector_store %arg16[%swap3A_80], %add3A_79 {strides = array<i32>} : memref<80xi32, #tpu.memory_space<vmem>>, vector<16xi32>,
    %get3A_82 = arith.constant 64 : index
    %get3A_83 = tpu.vector_load %arg8[%get3A_82] {strides = array<i32>} : memref<80xi32, #tpu.memory_space<vmem>>, vector<16xi32>,
    %get3A_84 = arith.constant 64 : index
    %get3A_85 = tpu.vector_load %arg12[%get3A_84] {strides = array<i32>} : memref<80xi32, #tpu.memory_space<vmem>>, vector<16xi32>,
    %gather3A_86 = tpu.vector_load_idx %arg7[%get3A_85] : memref<32768xi32, #tpu.memory_space<vmem>>[vector<16xi32>], vector<16xi32>,
    %sub3A_87 = arith.constant 1 : i32
    %sub3A_88 = vector.broadcast %sub3A_87 : i32 to vector<16xi32>
    %sub3A_89 = arith.subi %get3A_83, %sub3A_88 : vector<16xi32>
    %mul3A_90 = arith.constant 5 : i32
    %mul3A_91 = vector.broadcast %mul3A_90 : i32 to vector<16xi32>
    %mul3A_92 = arith.muli %sub3A_89, %mul3A_91 : vector<16xi32>
    %add3A_93 = arith.addi %mul3A_92, %gather3A_86 : vector<16xi32>
    %swap3A_94 = arith.constant 64 : index
    %swap3A_95 = tpu.vector_load %arg16[%swap3A_94] {strides = array<i32>} : memref<80xi32, #tpu.memory_space<vmem>>, vector<16xi32>,
    tpu.vector_store %arg16[%swap3A_94], %add3A_93 {strides = array<i32>} : memref<80xi32, #tpu.memory_space<vmem>>, vector<16xi32>,
    %barrier3A = arith.constant 0 : index
    tpu.barrier barrier_id(%barrier3A)
    %dma_start3A_96 = arith.constant 0 : i32
    %dma_start3A_97 = arith.constant 0 : i32
    %dma_start3A_98 = tpu.memref_slice %arg24[%dma_start3A_96, %dma_start3A_97] : memref<500x128xf32, #tpu.memory_space<vmem_shared>> -> memref<500x128xf32, #tpu.memory_space<vmem_shared>>
    tpu.enqueue_indirect_dma source(%dma_start3A_98 : memref<500x128xf32, #tpu.memory_space<vmem_shared>>) target(%arg20 : memref<80x128xf32, #tpu.memory_space<vmem>>) offsets(%arg16 : memref<80xi32, #tpu.memory_space<vmem>>) semaphore(%arg25 : memref<!tpu.dma_semaphore, #tpu.memory_space<semaphore_mem>>)
    %add3A_99 = arith.constant 64 : i32
    %add3A_100 = arith.addi %add3A, %add3A_99 : i32
    %min3A_101 = arith.constant 12499 : i32
    %min3A_102 = arith.minsi %add3A_100, %min3A_101 : i32
    %mul3A_103 = arith.constant 80 : i32
    %mul3A_104 = arith.muli %min3A_102, %mul3A_103 : i32
    %dma_start3A_105 = tpu.memref_slice %arg2[%mul3A_104] : memref<1000000xi32, #tpu.memory_space<hbm>> -> memref<80xi32, #tpu.memory_space<hbm>>
    %dma_start3A_106 = tpu.memref_slice %arg2[%mul3A_104] : memref<1000000xi32, #tpu.memory_space<hbm>> -> memref<80xi32, #tpu.memory_space<hbm>>
    tpu.enqueue_dma source(%dma_start3A_106 : memref<80xi32, #tpu.memory_space<hbm>>) target(%arg10 : memref<80xi32, #tpu.memory_space<vmem>>) target_semaphore(%arg35 : memref<!tpu.dma_semaphore, #tpu.memory_space<semaphore_mem>>)
    %dma_start3A_107 = tpu.memref_slice %arg3[%mul3A_104] : memref<1000000xi32, #tpu.memory_space<hbm>> -> memref<80xi32, #tpu.memory_space<hbm>>
    %dma_start3A_108 = tpu.memref_slice %arg3[%mul3A_104] : memref<1000000xi32, #tpu.memory_space<hbm>> -> memref<80xi32, #tpu.memory_space<hbm>>
    tpu.enqueue_dma source(%dma_start3A_108 : memref<80xi32, #tpu.memory_space<hbm>>) target(%arg14 : memref<80xi32, #tpu.memory_space<vmem>>) target_semaphore(%arg35 : memref<!tpu.dma_semaphore, #tpu.memory_space<semaphore_mem>>)
    %add3A_109 = arith.constant 32 : i32
    %add3A_110 = arith.addi %add3A, %add3A_109 : i32
    %min3A_111 = arith.constant 12499 : i32
    %min3A_112 = arith.minsi %add3A_110, %min3A_111 : i32
    %mul3A_113 = arith.constant 80 : i32
    %mul3A_114 = arith.muli %min3A_112, %mul3A_113 : i32
    %dma_wait3A_115 = tpu.memref_slice %arg2[%mul3A_114] : memref<1000000xi32, #tpu.memory_space<hbm>> -> memref<80xi32, #tpu.memory_space<hbm>>
    %dma_wait3A_116 = tpu.memref_slice %arg2[%mul3A_114] : memref<1000000xi32, #tpu.memory_space<hbm>> -> memref<80xi32, #tpu.memory_space<hbm>>
    tpu.wait_dma2 semaphore(%arg34 : memref<!tpu.dma_semaphore, #tpu.memory_space<semaphore_mem>>) src(%dma_wait3A_116 : memref<80xi32, #tpu.memory_space<hbm>>) dst(%arg9 : memref<80xi32, #tpu.memory_space<vmem>>)
    %dma_wait3A_117 = tpu.memref_slice %arg3[%mul3A_114] : memref<1000000xi32, #tpu.memory_space<hbm>> -> memref<80xi32, #tpu.memory_space<hbm>>
    %dma_wait3A_118 = tpu.memref_slice %arg3[%mul3A_114] : memref<1000000xi32, #tpu.memory_space<hbm>> -> memref<80xi32, #tpu.memory_space<hbm>>
    tpu.wait_dma2 semaphore(%arg34 : memref<!tpu.dma_semaphore, #tpu.memory_space<semaphore_mem>>) src(%dma_wait3A_118 : memref<80xi32, #tpu.memory_space<hbm>>) dst(%arg13 : memref<80xi32, #tpu.memory_space<vmem>>)
    %get3A_119 = arith.constant 0 : index
    %get3A_120 = tpu.vector_load %arg9[%get3A_119] {strides = array<i32>} : memref<80xi32, #tpu.memory_space<vmem>>, vector<16xi32>,
    %get3A_121 = arith.constant 0 : index
    %get3A_122 = tpu.vector_load %arg13[%get3A_121] {strides = array<i32>} : memref<80xi32, #tpu.memory_space<vmem>>, vector<16xi32>,
    %gather3A_123 = tpu.vector_load_idx %arg7[%get3A_122] : memref<32768xi32, #tpu.memory_space<vmem>>[vector<16xi32>], vector<16xi32>,
    %sub3A_124 = arith.constant 1 : i32
    %sub3A_125 = vector.broadcast %sub3A_124 : i32 to vector<16xi32>
    %sub3A_126 = arith.subi %get3A_120, %sub3A_125 : vector<16xi32>
    %mul3A_127 = arith.constant 5 : i32
    %mul3A_128 = vector.broadcast %mul3A_127 : i32 to vector<16xi32>
    %mul3A_129 = arith.muli %sub3A_126, %mul3A_128 : vector<16xi32>
    %add3A_130 = arith.addi %mul3A_129, %gather3A_123 : vector<16xi32>
    %swap3A_131 = arith.constant 0 : index
    %swap3A_132 = tpu.vector_load %arg17[%swap3A_131] {strides = array<i32>} : memref<80xi32, #tpu.memory_space<vmem>>, vector<16xi32>,
    tpu.vector_store %arg17[%swap3A_131], %add3A_130 {strides = array<i32>} : memref<80xi32, #tpu.memory_space<vmem>>, vector<16xi32>,
    %get3A_133 = arith.constant 16 : index
    %get3A_134 = tpu.vector_load %arg9[%get3A_133] {strides = array<i32>} : memref<80xi32, #tpu.memory_space<vmem>>, vector<16xi32>,
    %get3A_135 = arith.constant 16 : index
    %get3A_136 = tpu.vector_load %arg13[%get3A_135] {strides = array<i32>} : memref<80xi32, #tpu.memory_space<vmem>>, vector<16xi32>,
    %gather3A_137 = tpu.vector_load_idx %arg7[%get3A_136] : memref<32768xi32, #tpu.memory_space<vmem>>[vector<16xi32>], vector<16xi32>,
    %sub3A_138 = arith.constant 1 : i32
    %sub3A_139 = vector.broadcast %sub3A_138 : i32 to vector<16xi32>
    %sub3A_140 = arith.subi %get3A_134, %sub3A_139 : vector<16xi32>
    %mul3A_141 = arith.constant 5 : i32
    %mul3A_142 = vector.broadcast %mul3A_141 : i32 to vector<16xi32>
    %mul3A_143 = arith.muli %sub3A_140, %mul3A_142 : vector<16xi32>
    %add3A_144 = arith.addi %mul3A_143, %gather3A_137 : vector<16xi32>
    %swap3A_145 = arith.constant 16 : index
    %swap3A_146 = tpu.vector_load %arg17[%swap3A_145] {strides = array<i32>} : memref<80xi32, #tpu.memory_space<vmem>>, vector<16xi32>,
    tpu.vector_store %arg17[%swap3A_145], %add3A_144 {strides = array<i32>} : memref<80xi32, #tpu.memory_space<vmem>>, vector<16xi32>,
    %get3A_147 = arith.constant 32 : index
    %get3A_148 = tpu.vector_load %arg9[%get3A_147] {strides = array<i32>} : memref<80xi32, #tpu.memory_space<vmem>>, vector<16xi32>,
    %get3A_149 = arith.constant 32 : index
    %get3A_150 = tpu.vector_load %arg13[%get3A_149] {strides = array<i32>} : memref<80xi32, #tpu.memory_space<vmem>>, vector<16xi32>,
    %gather3A_151 = tpu.vector_load_idx %arg7[%get3A_150] : memref<32768xi32, #tpu.memory_space<vmem>>[vector<16xi32>], vector<16xi32>,
    %sub3A_152 = arith.constant 1 : i32
    %sub3A_153 = vector.broadcast %sub3A_152 : i32 to vector<16xi32>
    %sub3A_154 = arith.subi %get3A_148, %sub3A_153 : vector<16xi32>
    %mul3A_155 = arith.constant 5 : i32
    %mul3A_156 = vector.broadcast %mul3A_155 : i32 to vector<16xi32>
    %mul3A_157 = arith.muli %sub3A_154, %mul3A_156 : vector<16xi32>
    %add3A_158 = arith.addi %mul3A_157, %gather3A_151 : vector<16xi32>
    %swap3A_159 = arith.constant 32 : index
    %swap3A_160 = tpu.vector_load %arg17[%swap3A_159] {strides = array<i32>} : memref<80xi32, #tpu.memory_space<vmem>>, vector<16xi32>,
    tpu.vector_store %arg17[%swap3A_159], %add3A_158 {strides = array<i32>} : memref<80xi32, #tpu.memory_space<vmem>>, vector<16xi32>,
    %get3A_161 = arith.constant 48 : index
    %get3A_162 = tpu.vector_load %arg9[%get3A_161] {strides = array<i32>} : memref<80xi32, #tpu.memory_space<vmem>>, vector<16xi32>,
    %get3A_163 = arith.constant 48 : index
    %get3A_164 = tpu.vector_load %arg13[%get3A_163] {strides = array<i32>} : memref<80xi32, #tpu.memory_space<vmem>>, vector<16xi32>,
    %gather3A_165 = tpu.vector_load_idx %arg7[%get3A_164] : memref<32768xi32, #tpu.memory_space<vmem>>[vector<16xi32>], vector<16xi32>,
    %sub3A_166 = arith.constant 1 : i32
    %sub3A_167 = vector.broadcast %sub3A_166 : i32 to vector<16xi32>
    %sub3A_168 = arith.subi %get3A_162, %sub3A_167 : vector<16xi32>
    %mul3A_169 = arith.constant 5 : i32
    %mul3A_170 = vector.broadcast %mul3A_169 : i32 to vector<16xi32>
    %mul3A_171 = arith.muli %sub3A_168, %mul3A_170 : vector<16xi32>
    %add3A_172 = arith.addi %mul3A_171, %gather3A_165 : vector<16xi32>
    %swap3A_173 = arith.constant 48 : index
    %swap3A_174 = tpu.vector_load %arg17[%swap3A_173] {strides = array<i32>} : memref<80xi32, #tpu.memory_space<vmem>>, vector<16xi32>,
    tpu.vector_store %arg17[%swap3A_173], %add3A_172 {strides = array<i32>} : memref<80xi32, #tpu.memory_space<vmem>>, vector<16xi32>,
    %get3A_175 = arith.constant 64 : index
    %get3A_176 = tpu.vector_load %arg9[%get3A_175] {strides = array<i32>} : memref<80xi32, #tpu.memory_space<vmem>>, vector<16xi32>,
    %get3A_177 = arith.constant 64 : index
    %get3A_178 = tpu.vector_load %arg13[%get3A_177] {strides = array<i32>} : memref<80xi32, #tpu.memory_space<vmem>>, vector<16xi32>,
    %gather3A_179 = tpu.vector_load_idx %arg7[%get3A_178] : memref<32768xi32, #tpu.memory_space<vmem>>[vector<16xi32>], vector<16xi32>,
    %sub3A_180 = arith.constant 1 : i32
    %sub3A_181 = vector.broadcast %sub3A_180 : i32 to vector<16xi32>
    %sub3A_182 = arith.subi %get3A_176, %sub3A_181 : vector<16xi32>
    %mul3A_183 = arith.constant 5 : i32
    %mul3A_184 = vector.broadcast %mul3A_183 : i32 to vector<16xi32>
    %mul3A_185 = arith.muli %sub3A_182, %mul3A_184 : vector<16xi32>
    %add3A_186 = arith.addi %mul3A_185, %gather3A_179 : vector<16xi32>
    %swap3A_187 = arith.constant 64 : index
    %swap3A_188 = tpu.vector_load %arg17[%swap3A_187] {strides = array<i32>} : memref<80xi32, #tpu.memory_space<vmem>>, vector<16xi32>,
    tpu.vector_store %arg17[%swap3A_187], %add3A_186 {strides = array<i32>} : memref<80xi32, #tpu.memory_space<vmem>>, vector<16xi32>,
    %dma_start3A_189 = arith.constant 0 : i32
    %dma_start3A_190 = arith.constant 0 : i32
    %dma_start3A_191 = tpu.memref_slice %arg24[%dma_start3A_189, %dma_start3A_190] : memref<500x128xf32, #tpu.memory_space<vmem_shared>> -> memref<500x128xf32, #tpu.memory_space<vmem_shared>>
    tpu.enqueue_indirect_dma source(%dma_start3A_191 : memref<500x128xf32, #tpu.memory_space<vmem_shared>>) target(%arg21 : memref<80x128xf32, #tpu.memory_space<vmem>>) offsets(%arg17 : memref<80xi32, #tpu.memory_space<vmem>>) semaphore(%arg26 : memref<!tpu.dma_semaphore, #tpu.memory_space<semaphore_mem>>)
    %add3A_192 = arith.constant 96 : i32
    %add3A_193 = arith.addi %add3A, %add3A_192 : i32
    %min3A_194 = arith.constant 12499 : i32
    %min3A_195 = arith.minsi %add3A_193, %min3A_194 : i32
    %mul3A_196 = arith.constant 80 : i32
    %mul3A_197 = arith.muli %min3A_195, %mul3A_196 : i32
    %dma_start3A_198 = tpu.memref_slice %arg2[%mul3A_197] : memref<1000000xi32, #tpu.memory_space<hbm>> -> memref<80xi32, #tpu.memory_space<hbm>>
    %dma_start3A_199 = tpu.memref_slice %arg2[%mul3A_197] : memref<1000000xi32, #tpu.memory_space<hbm>> -> memref<80xi32, #tpu.memory_space<hbm>>
    tpu.enqueue_dma source(%dma_start3A_199 : memref<80xi32, #tpu.memory_space<hbm>>) target(%arg11 : memref<80xi32, #tpu.memory_space<vmem>>) target_semaphore(%arg36 : memref<!tpu.dma_semaphore, #tpu.memory_space<semaphore_mem>>)
    %dma_start3A_200 = tpu.memref_slice %arg3[%mul3A_197] : memref<1000000xi32, #tpu.memory_space<hbm>> -> memref<80xi32, #tpu.memory_space<hbm>>
    %dma_start3A_201 = tpu.memref_slice %arg3[%mul3A_197] : memref<1000000xi32, #tpu.memory_space<hbm>> -> memref<80xi32, #tpu.memory_space<hbm>>
    tpu.enqueue_dma source(%dma_start3A_201 : memref<80xi32, #tpu.memory_space<hbm>>) target(%arg15 : memref<80xi32, #tpu.memory_space<vmem>>) target_semaphore(%arg36 : memref<!tpu.dma_semaphore, #tpu.memory_space<semaphore_mem>>)
    %add3A_202 = arith.constant 64 : i32
    %add3A_203 = arith.addi %add3A, %add3A_202 : i32
    %min3A_204 = arith.constant 12499 : i32
    %min3A_205 = arith.minsi %add3A_203, %min3A_204 : i32
    %mul3A_206 = arith.constant 80 : i32
    %mul3A_207 = arith.muli %min3A_205, %mul3A_206 : i32
    %dma_wait3A_208 = tpu.memref_slice %arg2[%mul3A_207] : memref<1000000xi32, #tpu.memory_space<hbm>> -> memref<80xi32, #tpu.memory_space<hbm>>
    %dma_wait3A_209 = tpu.memref_slice %arg2[%mul3A_207] : memref<1000000xi32, #tpu.memory_space<hbm>> -> memref<80xi32, #tpu.memory_space<hbm>>
    tpu.wait_dma2 semaphore(%arg35 : memref<!tpu.dma_semaphore, #tpu.memory_space<semaphore_mem>>) src(%dma_wait3A_209 : memref<80xi32, #tpu.memory_space<hbm>>) dst(%arg10 : memref<80xi32, #tpu.memory_space<vmem>>)
    %dma_wait3A_210 = tpu.memref_slice %arg3[%mul3A_207] : memref<1000000xi32, #tpu.memory_space<hbm>> -> memref<80xi32, #tpu.memory_space<hbm>>
    %dma_wait3A_211 = tpu.memref_slice %arg3[%mul3A_207] : memref<1000000xi32, #tpu.memory_space<hbm>> -> memref<80xi32, #tpu.memory_space<hbm>>
    tpu.wait_dma2 semaphore(%arg35 : memref<!tpu.dma_semaphore, #tpu.memory_space<semaphore_mem>>) src(%dma_wait3A_211 : memref<80xi32, #tpu.memory_space<hbm>>) dst(%arg14 : memref<80xi32, #tpu.memory_space<vmem>>)
    %get3A_212 = arith.constant 0 : index
    %get3A_213 = tpu.vector_load %arg10[%get3A_212] {strides = array<i32>} : memref<80xi32, #tpu.memory_space<vmem>>, vector<16xi32>,
    %get3A_214 = arith.constant 0 : index
    %get3A_215 = tpu.vector_load %arg14[%get3A_214] {strides = array<i32>} : memref<80xi32, #tpu.memory_space<vmem>>, vector<16xi32>,
    %gather3A_216 = tpu.vector_load_idx %arg7[%get3A_215] : memref<32768xi32, #tpu.memory_space<vmem>>[vector<16xi32>], vector<16xi32>,
    %sub3A_217 = arith.constant 1 : i32
    %sub3A_218 = vector.broadcast %sub3A_217 : i32 to vector<16xi32>
    %sub3A_219 = arith.subi %get3A_213, %sub3A_218 : vector<16xi32>
    %mul3A_220 = arith.constant 5 : i32
    %mul3A_221 = vector.broadcast %mul3A_220 : i32 to vector<16xi32>
    %mul3A_222 = arith.muli %sub3A_219, %mul3A_221 : vector<16xi32>
    %add3A_223 = arith.addi %mul3A_222, %gather3A_216 : vector<16xi32>
    %swap3A_224 = arith.constant 0 : index
    %swap3A_225 = tpu.vector_load %arg18[%swap3A_224] {strides = array<i32>} : memref<80xi32, #tpu.memory_space<vmem>>, vector<16xi32>,
    tpu.vector_store %arg18[%swap3A_224], %add3A_223 {strides = array<i32>} : memref<80xi32, #tpu.memory_space<vmem>>, vector<16xi32>,
    %get3A_226 = arith.constant 16 : index
    %get3A_227 = tpu.vector_load %arg10[%get3A_226] {strides = array<i32>} : memref<80xi32, #tpu.memory_space<vmem>>, vector<16xi32>,
    %get3A_228 = arith.constant 16 : index
    %get3A_229 = tpu.vector_load %arg14[%get3A_228] {strides = array<i32>} : memref<80xi32, #tpu.memory_space<vmem>>, vector<16xi32>,
    %gather3A_230 = tpu.vector_load_idx %arg7[%get3A_229] : memref<32768xi32, #tpu.memory_space<vmem>>[vector<16xi32>], vector<16xi32>,
    %sub3A_231 = arith.constant 1 : i32
    %sub3A_232 = vector.broadcast %sub3A_231 : i32 to vector<16xi32>
    %sub3A_233 = arith.subi %get3A_227, %sub3A_232 : vector<16xi32>
    %mul3A_234 = arith.constant 5 : i32
    %mul3A_235 = vector.broadcast %mul3A_234 : i32 to vector<16xi32>
    %mul3A_236 = arith.muli %sub3A_233, %mul3A_235 : vector<16xi32>
    %add3A_237 = arith.addi %mul3A_236, %gather3A_230 : vector<16xi32>
    %swap3A_238 = arith.constant 16 : index
    %swap3A_239 = tpu.vector_load %arg18[%swap3A_238] {strides = array<i32>} : memref<80xi32, #tpu.memory_space<vmem>>, vector<16xi32>,
    tpu.vector_store %arg18[%swap3A_238], %add3A_237 {strides = array<i32>} : memref<80xi32, #tpu.memory_space<vmem>>, vector<16xi32>,
    %get3A_240 = arith.constant 32 : index
    %get3A_241 = tpu.vector_load %arg10[%get3A_240] {strides = array<i32>} : memref<80xi32, #tpu.memory_space<vmem>>, vector<16xi32>,
    %get3A_242 = arith.constant 32 : index
    %get3A_243 = tpu.vector_load %arg14[%get3A_242] {strides = array<i32>} : memref<80xi32, #tpu.memory_space<vmem>>, vector<16xi32>,
    %gather3A_244 = tpu.vector_load_idx %arg7[%get3A_243] : memref<32768xi32, #tpu.memory_space<vmem>>[vector<16xi32>], vector<16xi32>,
    %sub3A_245 = arith.constant 1 : i32
    %sub3A_246 = vector.broadcast %sub3A_245 : i32 to vector<16xi32>
    %sub3A_247 = arith.subi %get3A_241, %sub3A_246 : vector<16xi32>
    %mul3A_248 = arith.constant 5 : i32
    %mul3A_249 = vector.broadcast %mul3A_248 : i32 to vector<16xi32>
    %mul3A_250 = arith.muli %sub3A_247, %mul3A_249 : vector<16xi32>
    %add3A_251 = arith.addi %mul3A_250, %gather3A_244 : vector<16xi32>
    %swap3A_252 = arith.constant 32 : index
    %swap3A_253 = tpu.vector_load %arg18[%swap3A_252] {strides = array<i32>} : memref<80xi32, #tpu.memory_space<vmem>>, vector<16xi32>,
    tpu.vector_store %arg18[%swap3A_252], %add3A_251 {strides = array<i32>} : memref<80xi32, #tpu.memory_space<vmem>>, vector<16xi32>,
    %get3A_254 = arith.constant 48 : index
    %get3A_255 = tpu.vector_load %arg10[%get3A_254] {strides = array<i32>} : memref<80xi32, #tpu.memory_space<vmem>>, vector<16xi32>,
    %get3A_256 = arith.constant 48 : index
    %get3A_257 = tpu.vector_load %arg14[%get3A_256] {strides = array<i32>} : memref<80xi32, #tpu.memory_space<vmem>>, vector<16xi32>,
    %gather3A_258 = tpu.vector_load_idx %arg7[%get3A_257] : memref<32768xi32, #tpu.memory_space<vmem>>[vector<16xi32>], vector<16xi32>,
    %sub3A_259 = arith.constant 1 : i32
    %sub3A_260 = vector.broadcast %sub3A_259 : i32 to vector<16xi32>
    %sub3A_261 = arith.subi %get3A_255, %sub3A_260 : vector<16xi32>
    %mul3A_262 = arith.constant 5 : i32
    %mul3A_263 = vector.broadcast %mul3A_262 : i32 to vector<16xi32>
    %mul3A_264 = arith.muli %sub3A_261, %mul3A_263 : vector<16xi32>
    %add3A_265 = arith.addi %mul3A_264, %gather3A_258 : vector<16xi32>
    %swap3A_266 = arith.constant 48 : index
    %swap3A_267 = tpu.vector_load %arg18[%swap3A_266] {strides = array<i32>} : memref<80xi32, #tpu.memory_space<vmem>>, vector<16xi32>,
    tpu.vector_store %arg18[%swap3A_266], %add3A_265 {strides = array<i32>} : memref<80xi32, #tpu.memory_space<vmem>>, vector<16xi32>,
    %get3A_268 = arith.constant 64 : index
    %get3A_269 = tpu.vector_load %arg10[%get3A_268] {strides = array<i32>} : memref<80xi32, #tpu.memory_space<vmem>>, vector<16xi32>,
    %get3A_270 = arith.constant 64 : index
    %get3A_271 = tpu.vector_load %arg14[%get3A_270] {strides = array<i32>} : memref<80xi32, #tpu.memory_space<vmem>>, vector<16xi32>,
    %gather3A_272 = tpu.vector_load_idx %arg7[%get3A_271] : memref<32768xi32, #tpu.memory_space<vmem>>[vector<16xi32>], vector<16xi32>,
    %sub3A_273 = arith.constant 1 : i32
    %sub3A_274 = vector.broadcast %sub3A_273 : i32 to vector<16xi32>
    %sub3A_275 = arith.subi %get3A_269, %sub3A_274 : vector<16xi32>
    %mul3A_276 = arith.constant 5 : i32
    %mul3A_277 = vector.broadcast %mul3A_276 : i32 to vector<16xi32>
    %mul3A_278 = arith.muli %sub3A_275, %mul3A_277 : vector<16xi32>
    %add3A_279 = arith.addi %mul3A_278, %gather3A_272 : vector<16xi32>
    %swap3A_280 = arith.constant 64 : index
    %swap3A_281 = tpu.vector_load %arg18[%swap3A_280] {strides = array<i32>} : memref<80xi32, #tpu.memory_space<vmem>>, vector<16xi32>,
    tpu.vector_store %arg18[%swap3A_280], %add3A_279 {strides = array<i32>} : memref<80xi32, #tpu.memory_space<vmem>>, vector<16xi32>,
    %dma_start3A_282 = arith.constant 0 : i32
    %dma_start3A_283 = arith.constant 0 : i32
    %dma_start3A_284 = tpu.memref_slice %arg24[%dma_start3A_282, %dma_start3A_283] : memref<500x128xf32, #tpu.memory_space<vmem_shared>> -> memref<500x128xf32, #tpu.memory_space<vmem_shared>>
    tpu.enqueue_indirect_dma source(%dma_start3A_284 : memref<500x128xf32, #tpu.memory_space<vmem_shared>>) target(%arg22 : memref<80x128xf32, #tpu.memory_space<vmem>>) offsets(%arg18 : memref<80xi32, #tpu.memory_space<vmem>>) semaphore(%arg27 : memref<!tpu.dma_semaphore, #tpu.memory_space<semaphore_mem>>)
    %add3A_285 = arith.constant 128 : i32
    %add3A_286 = arith.addi %add3A, %add3A_285 : i32
    %min3A_287 = arith.constant 12499 : i32
    %min3A_288 = arith.minsi %add3A_286, %min3A_287 : i32
    %mul3A_289 = arith.constant 80 : i32
    %mul3A_290 = arith.muli %min3A_288, %mul3A_289 : i32
    %dma_start3A_291 = tpu.memref_slice %arg2[%mul3A_290] : memref<1000000xi32, #tpu.memory_space<hbm>> -> memref<80xi32, #tpu.memory_space<hbm>>
    %dma_start3A_292 = tpu.memref_slice %arg2[%mul3A_290] : memref<1000000xi32, #tpu.memory_space<hbm>> -> memref<80xi32, #tpu.memory_space<hbm>>
    tpu.enqueue_dma source(%dma_start3A_292 : memref<80xi32, #tpu.memory_space<hbm>>) target(%arg8 : memref<80xi32, #tpu.memory_space<vmem>>) target_semaphore(%arg33 : memref<!tpu.dma_semaphore, #tpu.memory_space<semaphore_mem>>)
    %dma_start3A_293 = tpu.memref_slice %arg3[%mul3A_290] : memref<1000000xi32, #tpu.memory_space<hbm>> -> memref<80xi32, #tpu.memory_space<hbm>>
    %dma_start3A_294 = tpu.memref_slice %arg3[%mul3A_290] : memref<1000000xi32, #tpu.memory_space<hbm>> -> memref<80xi32, #tpu.memory_space<hbm>>
    tpu.enqueue_dma source(%dma_start3A_294 : memref<80xi32, #tpu.memory_space<hbm>>) target(%arg12 : memref<80xi32, #tpu.memory_space<vmem>>) target_semaphore(%arg33 : memref<!tpu.dma_semaphore, #tpu.memory_space<semaphore_mem>>)
    %dma_wait3A_295 = arith.constant 0 : i32
    %dma_wait3A_296 = arith.constant 0 : i32
    %dma_wait3A_297 = tpu.memref_slice %arg24[%dma_wait3A_295, %dma_wait3A_296] : memref<500x128xf32, #tpu.memory_space<vmem_shared>> -> memref<500x128xf32, #tpu.memory_space<vmem_shared>>
    tpu.wait_indirect_dma semaphore(%arg25 : memref<!tpu.dma_semaphore, #tpu.memory_space<semaphore_mem>>) src(%dma_wait3A_297 : memref<500x128xf32, #tpu.memory_space<vmem_shared>>) dst(%arg20 : memref<80x128xf32, #tpu.memory_space<vmem>>)
    %add3A_298 = arith.constant 0 : i32
    %add3A_299 = arith.addi %add3A, %add3A_298 : i32
    %min3A_300 = arith.constant 12499 : i32
    %min3A_301 = arith.minsi %add3A_299, %min3A_300 : i32
    %mul3A_302 = arith.constant 80 : i32
    %mul3A_303 = arith.muli %min3A_301, %mul3A_302 : i32
    %dma_start3A_304 = arith.constant 0 : i32
    %dma_start3A_305 = tpu.memref_slice %arg6[%mul3A_303, %dma_start3A_304] : memref<1000000x128xf32, #tpu.memory_space<hbm>> -> memref<80x128xf32, #tpu.memory_space<hbm>>
    %dma_start3A_306 = arith.constant 0 : i32
    %dma_start3A_307 = tpu.memref_slice %arg6[%mul3A_303, %dma_start3A_306] : memref<1000000x128xf32, #tpu.memory_space<hbm>> -> memref<80x128xf32, #tpu.memory_space<hbm>>
    tpu.enqueue_dma source(%arg20 : memref<80x128xf32, #tpu.memory_space<vmem>>) target(%dma_start3A_307 : memref<80x128xf32, #tpu.memory_space<hbm>>) target_semaphore(%arg29 : memref<!tpu.dma_semaphore, #tpu.memory_space<semaphore_mem>>)
    %add3A_308 = arith.constant 96 : i32
    %add3A_309 = arith.addi %add3A, %add3A_308 : i32
    %min3A_310 = arith.constant 12499 : i32
    %min3A_311 = arith.minsi %add3A_309, %min3A_310 : i32
    %mul3A_312 = arith.constant 80 : i32
    %mul3A_313 = arith.muli %min3A_311, %mul3A_312 : i32
    %dma_wait3A_314 = tpu.memref_slice %arg2[%mul3A_313] : memref<1000000xi32, #tpu.memory_space<hbm>> -> memref<80xi32, #tpu.memory_space<hbm>>
    %dma_wait3A_315 = tpu.memref_slice %arg2[%mul3A_313] : memref<1000000xi32, #tpu.memory_space<hbm>> -> memref<80xi32, #tpu.memory_space<hbm>>
    tpu.wait_dma2 semaphore(%arg36 : memref<!tpu.dma_semaphore, #tpu.memory_space<semaphore_mem>>) src(%dma_wait3A_315 : memref<80xi32, #tpu.memory_space<hbm>>) dst(%arg11 : memref<80xi32, #tpu.memory_space<vmem>>)
    %dma_wait3A_316 = tpu.memref_slice %arg3[%mul3A_313] : memref<1000000xi32, #tpu.memory_space<hbm>> -> memref<80xi32, #tpu.memory_space<hbm>>
    %dma_wait3A_317 = tpu.memref_slice %arg3[%mul3A_313] : memref<1000000xi32, #tpu.memory_space<hbm>> -> memref<80xi32, #tpu.memory_space<hbm>>
    tpu.wait_dma2 semaphore(%arg36 : memref<!tpu.dma_semaphore, #tpu.memory_space<semaphore_mem>>) src(%dma_wait3A_317 : memref<80xi32, #tpu.memory_space<hbm>>) dst(%arg15 : memref<80xi32, #tpu.memory_space<vmem>>)
    %get3A_318 = arith.constant 0 : index
    %get3A_319 = tpu.vector_load %arg11[%get3A_318] {strides = array<i32>} : memref<80xi32, #tpu.memory_space<vmem>>, vector<16xi32>,
    %get3A_320 = arith.constant 0 : index
    %get3A_321 = tpu.vector_load %arg15[%get3A_320] {strides = array<i32>} : memref<80xi32, #tpu.memory_space<vmem>>, vector<16xi32>,
    %gather3A_322 = tpu.vector_load_idx %arg7[%get3A_321] : memref<32768xi32, #tpu.memory_space<vmem>>[vector<16xi32>], vector<16xi32>,
    %sub3A_323 = arith.constant 1 : i32
    %sub3A_324 = vector.broadcast %sub3A_323 : i32 to vector<16xi32>
    %sub3A_325 = arith.subi %get3A_319, %sub3A_324 : vector<16xi32>
    %mul3A_326 = arith.constant 5 : i32
    %mul3A_327 = vector.broadcast %mul3A_326 : i32 to vector<16xi32>
    %mul3A_328 = arith.muli %sub3A_325, %mul3A_327 : vector<16xi32>
    %add3A_329 = arith.addi %mul3A_328, %gather3A_322 : vector<16xi32>
    %swap3A_330 = arith.constant 0 : index
    %swap3A_331 = tpu.vector_load %arg19[%swap3A_330] {strides = array<i32>} : memref<80xi32, #tpu.memory_space<vmem>>, vector<16xi32>,
    tpu.vector_store %arg19[%swap3A_330], %add3A_329 {strides = array<i32>} : memref<80xi32, #tpu.memory_space<vmem>>, vector<16xi32>,
    %get3A_332 = arith.constant 16 : index
    %get3A_333 = tpu.vector_load %arg11[%get3A_332] {strides = array<i32>} : memref<80xi32, #tpu.memory_space<vmem>>, vector<16xi32>,
    %get3A_334 = arith.constant 16 : index
    %get3A_335 = tpu.vector_load %arg15[%get3A_334] {strides = array<i32>} : memref<80xi32, #tpu.memory_space<vmem>>, vector<16xi32>,
    %gather3A_336 = tpu.vector_load_idx %arg7[%get3A_335] : memref<32768xi32, #tpu.memory_space<vmem>>[vector<16xi32>], vector<16xi32>,
    %sub3A_337 = arith.constant 1 : i32
    %sub3A_338 = vector.broadcast %sub3A_337 : i32 to vector<16xi32>
    %sub3A_339 = arith.subi %get3A_333, %sub3A_338 : vector<16xi32>
    %mul3A_340 = arith.constant 5 : i32
    %mul3A_341 = vector.broadcast %mul3A_340 : i32 to vector<16xi32>
    %mul3A_342 = arith.muli %sub3A_339, %mul3A_341 : vector<16xi32>
    %add3A_343 = arith.addi %mul3A_342, %gather3A_336 : vector<16xi32>
    %swap3A_344 = arith.constant 16 : index
    %swap3A_345 = tpu.vector_load %arg19[%swap3A_344] {strides = array<i32>} : memref<80xi32, #tpu.memory_space<vmem>>, vector<16xi32>,
    tpu.vector_store %arg19[%swap3A_344], %add3A_343 {strides = array<i32>} : memref<80xi32, #tpu.memory_space<vmem>>, vector<16xi32>,
    %get3A_346 = arith.constant 32 : index
    %get3A_347 = tpu.vector_load %arg11[%get3A_346] {strides = array<i32>} : memref<80xi32, #tpu.memory_space<vmem>>, vector<16xi32>,
    %get3A_348 = arith.constant 32 : index
    %get3A_349 = tpu.vector_load %arg15[%get3A_348] {strides = array<i32>} : memref<80xi32, #tpu.memory_space<vmem>>, vector<16xi32>,
    %gather3A_350 = tpu.vector_load_idx %arg7[%get3A_349] : memref<32768xi32, #tpu.memory_space<vmem>>[vector<16xi32>], vector<16xi32>,
    %sub3A_351 = arith.constant 1 : i32
    %sub3A_352 = vector.broadcast %sub3A_351 : i32 to vector<16xi32>
    %sub3A_353 = arith.subi %get3A_347, %sub3A_352 : vector<16xi32>
    %mul3A_354 = arith.constant 5 : i32
    %mul3A_355 = vector.broadcast %mul3A_354 : i32 to vector<16xi32>
    %mul3A_356 = arith.muli %sub3A_353, %mul3A_355 : vector<16xi32>
    %add3A_357 = arith.addi %mul3A_356, %gather3A_350 : vector<16xi32>
    %swap3A_358 = arith.constant 32 : index
    %swap3A_359 = tpu.vector_load %arg19[%swap3A_358] {strides = array<i32>} : memref<80xi32, #tpu.memory_space<vmem>>, vector<16xi32>,
    tpu.vector_store %arg19[%swap3A_358], %add3A_357 {strides = array<i32>} : memref<80xi32, #tpu.memory_space<vmem>>, vector<16xi32>,
    %get3A_360 = arith.constant 48 : index
    %get3A_361 = tpu.vector_load %arg11[%get3A_360] {strides = array<i32>} : memref<80xi32, #tpu.memory_space<vmem>>, vector<16xi32>,
    %get3A_362 = arith.constant 48 : index
    %get3A_363 = tpu.vector_load %arg15[%get3A_362] {strides = array<i32>} : memref<80xi32, #tpu.memory_space<vmem>>, vector<16xi32>,
    %gather3A_364 = tpu.vector_load_idx %arg7[%get3A_363] : memref<32768xi32, #tpu.memory_space<vmem>>[vector<16xi32>], vector<16xi32>,
    %sub3A_365 = arith.constant 1 : i32
    %sub3A_366 = vector.broadcast %sub3A_365 : i32 to vector<16xi32>
    %sub3A_367 = arith.subi %get3A_361, %sub3A_366 : vector<16xi32>
    %mul3A_368 = arith.constant 5 : i32
    %mul3A_369 = vector.broadcast %mul3A_368 : i32 to vector<16xi32>
    %mul3A_370 = arith.muli %sub3A_367, %mul3A_369 : vector<16xi32>
    %add3A_371 = arith.addi %mul3A_370, %gather3A_364 : vector<16xi32>
    %swap3A_372 = arith.constant 48 : index
    %swap3A_373 = tpu.vector_load %arg19[%swap3A_372] {strides = array<i32>} : memref<80xi32, #tpu.memory_space<vmem>>, vector<16xi32>,
    tpu.vector_store %arg19[%swap3A_372], %add3A_371 {strides = array<i32>} : memref<80xi32, #tpu.memory_space<vmem>>, vector<16xi32>,
    %get3A_374 = arith.constant 64 : index
    %get3A_375 = tpu.vector_load %arg11[%get3A_374] {strides = array<i32>} : memref<80xi32, #tpu.memory_space<vmem>>, vector<16xi32>,
    %get3A_376 = arith.constant 64 : index
    %get3A_377 = tpu.vector_load %arg15[%get3A_376] {strides = array<i32>} : memref<80xi32, #tpu.memory_space<vmem>>, vector<16xi32>,
    %gather3A_378 = tpu.vector_load_idx %arg7[%get3A_377] : memref<32768xi32, #tpu.memory_space<vmem>>[vector<16xi32>], vector<16xi32>,
    %sub3A_379 = arith.constant 1 : i32
    %sub3A_380 = vector.broadcast %sub3A_379 : i32 to vector<16xi32>
    %sub3A_381 = arith.subi %get3A_375, %sub3A_380 : vector<16xi32>
    %mul3A_382 = arith.constant 5 : i32
    %mul3A_383 = vector.broadcast %mul3A_382 : i32 to vector<16xi32>
    %mul3A_384 = arith.muli %sub3A_381, %mul3A_383 : vector<16xi32>
    %add3A_385 = arith.addi %mul3A_384, %gather3A_378 : vector<16xi32>
    %swap3A_386 = arith.constant 64 : index
    %swap3A_387 = tpu.vector_load %arg19[%swap3A_386] {strides = array<i32>} : memref<80xi32, #tpu.memory_space<vmem>>, vector<16xi32>,
    tpu.vector_store %arg19[%swap3A_386], %add3A_385 {strides = array<i32>} : memref<80xi32, #tpu.memory_space<vmem>>, vector<16xi32>,
    %dma_start3A_388 = arith.constant 0 : i32
    %dma_start3A_389 = arith.constant 0 : i32
    %dma_start3A_390 = tpu.memref_slice %arg24[%dma_start3A_388, %dma_start3A_389] : memref<500x128xf32, #tpu.memory_space<vmem_shared>> -> memref<500x128xf32, #tpu.memory_space<vmem_shared>>
    tpu.enqueue_indirect_dma source(%dma_start3A_390 : memref<500x128xf32, #tpu.memory_space<vmem_shared>>) target(%arg23 : memref<80x128xf32, #tpu.memory_space<vmem>>) offsets(%arg19 : memref<80xi32, #tpu.memory_space<vmem>>) semaphore(%arg28 : memref<!tpu.dma_semaphore, #tpu.memory_space<semaphore_mem>>)
    %add3A_391 = arith.constant 160 : i32
    %add3A_392 = arith.addi %add3A, %add3A_391 : i32
    %min3A_393 = arith.constant 12499 : i32
    %min3A_394 = arith.minsi %add3A_392, %min3A_393 : i32
    %mul3A_395 = arith.constant 80 : i32
    %mul3A_396 = arith.muli %min3A_394, %mul3A_395 : i32
    %dma_start3A_397 = tpu.memref_slice %arg2[%mul3A_396] : memref<1000000xi32, #tpu.memory_space<hbm>> -> memref<80xi32, #tpu.memory_space<hbm>>
    %dma_start3A_398 = tpu.memref_slice %arg2[%mul3A_396] : memref<1000000xi32, #tpu.memory_space<hbm>> -> memref<80xi32, #tpu.memory_space<hbm>>
    tpu.enqueue_dma source(%dma_start3A_398 : memref<80xi32, #tpu.memory_space<hbm>>) target(%arg9 : memref<80xi32, #tpu.memory_space<vmem>>) target_semaphore(%arg34 : memref<!tpu.dma_semaphore, #tpu.memory_space<semaphore_mem>>)
    %dma_start3A_399 = tpu.memref_slice %arg3[%mul3A_396] : memref<1000000xi32, #tpu.memory_space<hbm>> -> memref<80xi32, #tpu.memory_space<hbm>>
    %dma_start3A_400 = tpu.memref_slice %arg3[%mul3A_396] : memref<1000000xi32, #tpu.memory_space<hbm>> -> memref<80xi32, #tpu.memory_space<hbm>>
    tpu.enqueue_dma source(%dma_start3A_400 : memref<80xi32, #tpu.memory_space<hbm>>) target(%arg13 : memref<80xi32, #tpu.memory_space<vmem>>) target_semaphore(%arg34 : memref<!tpu.dma_semaphore, #tpu.memory_space<semaphore_mem>>)
    %dma_wait3A_401 = arith.constant 0 : i32
    %dma_wait3A_402 = arith.constant 0 : i32
    %dma_wait3A_403 = tpu.memref_slice %arg24[%dma_wait3A_401, %dma_wait3A_402] : memref<500x128xf32, #tpu.memory_space<vmem_shared>> -> memref<500x128xf32, #tpu.memory_space<vmem_shared>>
    tpu.wait_indirect_dma semaphore(%arg26 : memref<!tpu.dma_semaphore, #tpu.memory_space<semaphore_mem>>) src(%dma_wait3A_403 : memref<500x128xf32, #tpu.memory_space<vmem_shared>>) dst(%arg21 : memref<80x128xf32, #tpu.memory_space<vmem>>)
    %add3A_404 = arith.constant 32 : i32
    %add3A_405 = arith.addi %add3A, %add3A_404 : i32
    %min3A_406 = arith.constant 12499 : i32
    %min3A_407 = arith.minsi %add3A_405, %min3A_406 : i32
    %mul3A_408 = arith.constant 80 : i32
    %mul3A_409 = arith.muli %min3A_407, %mul3A_408 : i32
    %dma_start3A_410 = arith.constant 0 : i32
    %dma_start3A_411 = tpu.memref_slice %arg6[%mul3A_409, %dma_start3A_410] : memref<1000000x128xf32, #tpu.memory_space<hbm>> -> memref<80x128xf32, #tpu.memory_space<hbm>>
    %dma_start3A_412 = arith.constant 0 : i32
    %dma_start3A_413 = tpu.memref_slice %arg6[%mul3A_409, %dma_start3A_412] : memref<1000000x128xf32, #tpu.memory_space<hbm>> -> memref<80x128xf32, #tpu.memory_space<hbm>>
    tpu.enqueue_dma source(%arg21 : memref<80x128xf32, #tpu.memory_space<vmem>>) target(%dma_start3A_413 : memref<80x128xf32, #tpu.memory_space<hbm>>) target_semaphore(%arg30 : memref<!tpu.dma_semaphore, #tpu.memory_space<semaphore_mem>>)
    %add3A_414 = arith.constant 128 : i32
    %add3A_415 = arith.addi %add3A, %add3A_414 : i32
    %min3A_416 = arith.constant 12499 : i32
    %min3A_417 = arith.minsi %add3A_415, %min3A_416 : i32
    %mul3A_418 = arith.constant 80 : i32
    %mul3A_419 = arith.muli %min3A_417, %mul3A_418 : i32
    %dma_wait3A_420 = tpu.memref_slice %arg2[%mul3A_419] : memref<1000000xi32, #tpu.memory_space<hbm>> -> memref<80xi32, #tpu.memory_space<hbm>>
    %dma_wait3A_421 = tpu.memref_slice %arg2[%mul3A_419] : memref<1000000xi32, #tpu.memory_space<hbm>> -> memref<80xi32, #tpu.memory_space<hbm>>
    tpu.wait_dma2 semaphore(%arg33 : memref<!tpu.dma_semaphore, #tpu.memory_space<semaphore_mem>>) src(%dma_wait3A_421 : memref<80xi32, #tpu.memory_space<hbm>>) dst(%arg8 : memref<80xi32, #tpu.memory_space<vmem>>)
    %dma_wait3A_422 = tpu.memref_slice %arg3[%mul3A_419] : memref<1000000xi32, #tpu.memory_space<hbm>> -> memref<80xi32, #tpu.memory_space<hbm>>
    %dma_wait3A_423 = tpu.memref_slice %arg3[%mul3A_419] : memref<1000000xi32, #tpu.memory_space<hbm>> -> memref<80xi32, #tpu.memory_space<hbm>>
    tpu.wait_dma2 semaphore(%arg33 : memref<!tpu.dma_semaphore, #tpu.memory_space<semaphore_mem>>) src(%dma_wait3A_423 : memref<80xi32, #tpu.memory_space<hbm>>) dst(%arg12 : memref<80xi32, #tpu.memory_space<vmem>>)
    %get3A_424 = arith.constant 0 : index
    %get3A_425 = tpu.vector_load %arg8[%get3A_424] {strides = array<i32>} : memref<80xi32, #tpu.memory_space<vmem>>, vector<16xi32>,
    %get3A_426 = arith.constant 0 : index
    %get3A_427 = tpu.vector_load %arg12[%get3A_426] {strides = array<i32>} : memref<80xi32, #tpu.memory_space<vmem>>, vector<16xi32>,
    %gather3A_428 = tpu.vector_load_idx %arg7[%get3A_427] : memref<32768xi32, #tpu.memory_space<vmem>>[vector<16xi32>], vector<16xi32>,
    %sub3A_429 = arith.constant 1 : i32
    %sub3A_430 = vector.broadcast %sub3A_429 : i32 to vector<16xi32>
    %sub3A_431 = arith.subi %get3A_425, %sub3A_430 : vector<16xi32>
    %mul3A_432 = arith.constant 5 : i32
    %mul3A_433 = vector.broadcast %mul3A_432 : i32 to vector<16xi32>
    %mul3A_434 = arith.muli %sub3A_431, %mul3A_433 : vector<16xi32>
    %add3A_435 = arith.addi %mul3A_434, %gather3A_428 : vector<16xi32>
    %swap3A_436 = arith.constant 0 : index
    %swap3A_437 = tpu.vector_load %arg16[%swap3A_436] {strides = array<i32>} : memref<80xi32, #tpu.memory_space<vmem>>, vector<16xi32>,
    tpu.vector_store %arg16[%swap3A_436], %add3A_435 {strides = array<i32>} : memref<80xi32, #tpu.memory_space<vmem>>, vector<16xi32>,
    %get3A_438 = arith.constant 16 : index
    %get3A_439 = tpu.vector_load %arg8[%get3A_438] {strides = array<i32>} : memref<80xi32, #tpu.memory_space<vmem>>, vector<16xi32>,
    %get3A_440 = arith.constant 16 : index
    %get3A_441 = tpu.vector_load %arg12[%get3A_440] {strides = array<i32>} : memref<80xi32, #tpu.memory_space<vmem>>, vector<16xi32>,
    %gather3A_442 = tpu.vector_load_idx %arg7[%get3A_441] : memref<32768xi32, #tpu.memory_space<vmem>>[vector<16xi32>], vector<16xi32>,
    %sub3A_443 = arith.constant 1 : i32
    %sub3A_444 = vector.broadcast %sub3A_443 : i32 to vector<16xi32>
    %sub3A_445 = arith.subi %get3A_439, %sub3A_444 : vector<16xi32>
    %mul3A_446 = arith.constant 5 : i32
    %mul3A_447 = vector.broadcast %mul3A_446 : i32 to vector<16xi32>
    %mul3A_448 = arith.muli %sub3A_445, %mul3A_447 : vector<16xi32>
    %add3A_449 = arith.addi %mul3A_448, %gather3A_442 : vector<16xi32>
    %swap3A_450 = arith.constant 16 : index
    %swap3A_451 = tpu.vector_load %arg16[%swap3A_450] {strides = array<i32>} : memref<80xi32, #tpu.memory_space<vmem>>, vector<16xi32>,
    tpu.vector_store %arg16[%swap3A_450], %add3A_449 {strides = array<i32>} : memref<80xi32, #tpu.memory_space<vmem>>, vector<16xi32>,
    %get3A_452 = arith.constant 32 : index
    %get3A_453 = tpu.vector_load %arg8[%get3A_452] {strides = array<i32>} : memref<80xi32, #tpu.memory_space<vmem>>, vector<16xi32>,
    %get3A_454 = arith.constant 32 : index
    %get3A_455 = tpu.vector_load %arg12[%get3A_454] {strides = array<i32>} : memref<80xi32, #tpu.memory_space<vmem>>, vector<16xi32>,
    %gather3A_456 = tpu.vector_load_idx %arg7[%get3A_455] : memref<32768xi32, #tpu.memory_space<vmem>>[vector<16xi32>], vector<16xi32>,
    %sub3A_457 = arith.constant 1 : i32
    %sub3A_458 = vector.broadcast %sub3A_457 : i32 to vector<16xi32>
    %sub3A_459 = arith.subi %get3A_453, %sub3A_458 : vector<16xi32>
    %mul3A_460 = arith.constant 5 : i32
    %mul3A_461 = vector.broadcast %mul3A_460 : i32 to vector<16xi32>
    %mul3A_462 = arith.muli %sub3A_459, %mul3A_461 : vector<16xi32>
    %add3A_463 = arith.addi %mul3A_462, %gather3A_456 : vector<16xi32>
    %swap3A_464 = arith.constant 32 : index
    %swap3A_465 = tpu.vector_load %arg16[%swap3A_464] {strides = array<i32>} : memref<80xi32, #tpu.memory_space<vmem>>, vector<16xi32>,
    tpu.vector_store %arg16[%swap3A_464], %add3A_463 {strides = array<i32>} : memref<80xi32, #tpu.memory_space<vmem>>, vector<16xi32>,
    %get3A_466 = arith.constant 48 : index
    %get3A_467 = tpu.vector_load %arg8[%get3A_466] {strides = array<i32>} : memref<80xi32, #tpu.memory_space<vmem>>, vector<16xi32>,
    %get3A_468 = arith.constant 48 : index
    %get3A_469 = tpu.vector_load %arg12[%get3A_468] {strides = array<i32>} : memref<80xi32, #tpu.memory_space<vmem>>, vector<16xi32>,
    %gather3A_470 = tpu.vector_load_idx %arg7[%get3A_469] : memref<32768xi32, #tpu.memory_space<vmem>>[vector<16xi32>], vector<16xi32>,
    %sub3A_471 = arith.constant 1 : i32
    %sub3A_472 = vector.broadcast %sub3A_471 : i32 to vector<16xi32>
    %sub3A_473 = arith.subi %get3A_467, %sub3A_472 : vector<16xi32>
    %mul3A_474 = arith.constant 5 : i32
    %mul3A_475 = vector.broadcast %mul3A_474 : i32 to vector<16xi32>
    %mul3A_476 = arith.muli %sub3A_473, %mul3A_475 : vector<16xi32>
    %add3A_477 = arith.addi %mul3A_476, %gather3A_470 : vector<16xi32>
    %swap3A_478 = arith.constant 48 : index
    %swap3A_479 = tpu.vector_load %arg16[%swap3A_478] {strides = array<i32>} : memref<80xi32, #tpu.memory_space<vmem>>, vector<16xi32>,
    tpu.vector_store %arg16[%swap3A_478], %add3A_477 {strides = array<i32>} : memref<80xi32, #tpu.memory_space<vmem>>, vector<16xi32>,
    %get3A_480 = arith.constant 64 : index
    %get3A_481 = tpu.vector_load %arg8[%get3A_480] {strides = array<i32>} : memref<80xi32, #tpu.memory_space<vmem>>, vector<16xi32>,
    %get3A_482 = arith.constant 64 : index
    %get3A_483 = tpu.vector_load %arg12[%get3A_482] {strides = array<i32>} : memref<80xi32, #tpu.memory_space<vmem>>, vector<16xi32>,
    %gather3A_484 = tpu.vector_load_idx %arg7[%get3A_483] : memref<32768xi32, #tpu.memory_space<vmem>>[vector<16xi32>], vector<16xi32>,
    %sub3A_485 = arith.constant 1 : i32
    %sub3A_486 = vector.broadcast %sub3A_485 : i32 to vector<16xi32>
    %sub3A_487 = arith.subi %get3A_481, %sub3A_486 : vector<16xi32>
    %mul3A_488 = arith.constant 5 : i32
    %mul3A_489 = vector.broadcast %mul3A_488 : i32 to vector<16xi32>
    %mul3A_490 = arith.muli %sub3A_487, %mul3A_489 : vector<16xi32>
    %add3A_491 = arith.addi %mul3A_490, %gather3A_484 : vector<16xi32>
    %swap3A_492 = arith.constant 64 : index
    %swap3A_493 = tpu.vector_load %arg16[%swap3A_492] {strides = array<i32>} : memref<80xi32, #tpu.memory_space<vmem>>, vector<16xi32>,
    tpu.vector_store %arg16[%swap3A_492], %add3A_491 {strides = array<i32>} : memref<80xi32, #tpu.memory_space<vmem>>, vector<16xi32>,
    %scan3A = arith.constant 0 : i32
    %scan3A_494 = arith.constant 1 : i32
    %scan3A_495 = arith.constant 97 : i32
    %scan3A_496 = arith.addi %scan3A_494, %scan3A_495 : i32
    %scan3A_497 = arith.constant 1 : i32
    scf.for %scan3A_565 = %scan3A_494 to %scan3A_496 step %scan3A_497  : i32 {
      %mul3A_566 = arith.constant 4 : i32
      %mul3A_567 = arith.muli %mul3A_566, %scan3A_565 : i32
      %add3A_568 = arith.constant 0 : i32
      %add3A_569 = arith.addi %mul3A_567, %add3A_568 : i32
      %sub3A_570 = arith.constant 4 : i32
      %sub3A_571 = arith.subi %add3A_569, %sub3A_570 : i32
      %mul3A_572 = arith.constant 32 : i32
      %mul3A_573 = arith.muli %sub3A_571, %mul3A_572 : i32
      %add3A_574 = arith.addi %add3A, %mul3A_573 : i32
      %min3A_575 = arith.constant 12499 : i32
      %min3A_576 = arith.minsi %add3A_574, %min3A_575 : i32
      %mul3A_577 = arith.constant 80 : i32
      %mul3A_578 = arith.muli %min3A_576, %mul3A_577 : i32
      %dma_wait3A_579 = arith.constant 0 : i32
      %dma_wait3A_580 = tpu.memref_slice %arg6[%mul3A_578, %dma_wait3A_579] : memref<1000000x128xf32, #tpu.memory_space<hbm>> -> memref<80x128xf32, #tpu.memory_space<hbm>>
      %dma_wait3A_581 = arith.constant 0 : i32
      %dma_wait3A_582 = tpu.memref_slice %arg6[%mul3A_578, %dma_wait3A_581] : memref<1000000x128xf32, #tpu.memory_space<hbm>> -> memref<80x128xf32, #tpu.memory_space<hbm>>
      tpu.wait_dma2 semaphore(%arg29 : memref<!tpu.dma_semaphore, #tpu.memory_space<semaphore_mem>>) src(%arg20 : memref<80x128xf32, #tpu.memory_space<vmem>>) dst(%dma_wait3A_582 : memref<80x128xf32, #tpu.memory_space<hbm>>)
      %dma_start3A_583 = arith.constant 0 : i32
      %dma_start3A_584 = arith.constant 0 : i32
      %dma_start3A_585 = tpu.memref_slice %arg24[%dma_start3A_583, %dma_start3A_584] : memref<500x128xf32, #tpu.memory_space<vmem_shared>> -> memref<500x128xf32, #tpu.memory_space<vmem_shared>>
      tpu.enqueue_indirect_dma source(%dma_start3A_585 : memref<500x128xf32, #tpu.memory_space<vmem_shared>>) target(%arg20 : memref<80x128xf32, #tpu.memory_space<vmem>>) offsets(%arg16 : memref<80xi32, #tpu.memory_space<vmem>>) semaphore(%arg25 : memref<!tpu.dma_semaphore, #tpu.memory_space<semaphore_mem>>)
      %add3A_586 = arith.constant 2 : i32
      %add3A_587 = arith.addi %add3A_569, %add3A_586 : i32
      %mul3A_588 = arith.constant 32 : i32
      %mul3A_589 = arith.muli %add3A_587, %mul3A_588 : i32
      %add3A_590 = arith.addi %add3A, %mul3A_589 : i32
      %min3A_591 = arith.constant 12499 : i32
      %min3A_592 = arith.minsi %add3A_590, %min3A_591 : i32
      %mul3A_593 = arith.constant 80 : i32
      %mul3A_594 = arith.muli %min3A_592, %mul3A_593 : i32
      %dma_start3A_595 = tpu.memref_slice %arg2[%mul3A_594] : memref<1000000xi32, #tpu.memory_space<hbm>> -> memref<80xi32, #tpu.memory_space<hbm>>
      %dma_start3A_596 = tpu.memref_slice %arg2[%mul3A_594] : memref<1000000xi32, #tpu.memory_space<hbm>> -> memref<80xi32, #tpu.memory_space<hbm>>
      tpu.enqueue_dma source(%dma_start3A_596 : memref<80xi32, #tpu.memory_space<hbm>>) target(%arg10 : memref<80xi32, #tpu.memory_space<vmem>>) target_semaphore(%arg35 : memref<!tpu.dma_semaphore, #tpu.memory_space<semaphore_mem>>)
      %dma_start3A_597 = tpu.memref_slice %arg3[%mul3A_594] : memref<1000000xi32, #tpu.memory_space<hbm>> -> memref<80xi32, #tpu.memory_space<hbm>>
      %dma_start3A_598 = tpu.memref_slice %arg3[%mul3A_594] : memref<1000000xi32, #tpu.memory_space<hbm>> -> memref<80xi32, #tpu.memory_space<hbm>>
      tpu.enqueue_dma source(%dma_start3A_598 : memref<80xi32, #tpu.memory_space<hbm>>) target(%arg14 : memref<80xi32, #tpu.memory_space<vmem>>) target_semaphore(%arg35 : memref<!tpu.dma_semaphore, #tpu.memory_space<semaphore_mem>>)
      %dma_wait3A_599 = arith.constant 0 : i32
      %dma_wait3A_600 = arith.constant 0 : i32
      %dma_wait3A_601 = tpu.memref_slice %arg24[%dma_wait3A_599, %dma_wait3A_600] : memref<500x128xf32, #tpu.memory_space<vmem_shared>> -> memref<500x128xf32, #tpu.memory_space<vmem_shared>>
      tpu.wait_indirect_dma semaphore(%arg27 : memref<!tpu.dma_semaphore, #tpu.memory_space<semaphore_mem>>) src(%dma_wait3A_601 : memref<500x128xf32, #tpu.memory_space<vmem_shared>>) dst(%arg22 : memref<80x128xf32, #tpu.memory_space<vmem>>)
      %sub3A_602 = arith.constant 2 : i32
      %sub3A_603 = arith.subi %add3A_569, %sub3A_602 : i32
      %mul3A_604 = arith.constant 32 : i32
      %mul3A_605 = arith.muli %sub3A_603, %mul3A_604 : i32
      %add3A_606 = arith.addi %add3A, %mul3A_605 : i32
      %min3A_607 = arith.constant 12499 : i32
      %min3A_608 = arith.minsi %add3A_606, %min3A_607 : i32
      %mul3A_609 = arith.constant 80 : i32
      %mul3A_610 = arith.muli %min3A_608, %mul3A_609 : i32
      %dma_start3A_611 = arith.constant 0 : i32
      %dma_start3A_612 = tpu.memref_slice %arg6[%mul3A_610, %dma_start3A_611] : memref<1000000x128xf32, #tpu.memory_space<hbm>> -> memref<80x128xf32, #tpu.memory_space<hbm>>
      %dma_start3A_613 = arith.constant 0 : i32
      %dma_start3A_614 = tpu.memref_slice %arg6[%mul3A_610, %dma_start3A_613] : memref<1000000x128xf32, #tpu.memory_space<hbm>> -> memref<80x128xf32, #tpu.memory_space<hbm>>
      tpu.enqueue_dma source(%arg22 : memref<80x128xf32, #tpu.memory_space<vmem>>) target(%dma_start3A_614 : memref<80x128xf32, #tpu.memory_space<hbm>>) target_semaphore(%arg31 : memref<!tpu.dma_semaphore, #tpu.memory_space<semaphore_mem>>)
      %add3A_615 = arith.constant 1 : i32
      %add3A_616 = arith.addi %add3A_569, %add3A_615 : i32
      %mul3A_617 = arith.constant 32 : i32
      %mul3A_618 = arith.muli %add3A_616, %mul3A_617 : i32
      %add3A_619 = arith.addi %add3A, %mul3A_618 : i32
      %min3A_620 = arith.constant 12499 : i32
      %min3A_621 = arith.minsi %add3A_619, %min3A_620 : i32
      %mul3A_622 = arith.constant 80 : i32
      %mul3A_623 = arith.muli %min3A_621, %mul3A_622 : i32
      %dma_wait3A_624 = tpu.memref_slice %arg2[%mul3A_623] : memref<1000000xi32, #tpu.memory_space<hbm>> -> memref<80xi32, #tpu.memory_space<hbm>>
      %dma_wait3A_625 = tpu.memref_slice %arg2[%mul3A_623] : memref<1000000xi32, #tpu.memory_space<hbm>> -> memref<80xi32, #tpu.memory_space<hbm>>
      tpu.wait_dma2 semaphore(%arg34 : memref<!tpu.dma_semaphore, #tpu.memory_space<semaphore_mem>>) src(%dma_wait3A_625 : memref<80xi32, #tpu.memory_space<hbm>>) dst(%arg9 : memref<80xi32, #tpu.memory_space<vmem>>)
      %dma_wait3A_626 = tpu.memref_slice %arg3[%mul3A_623] : memref<1000000xi32, #tpu.memory_space<hbm>> -> memref<80xi32, #tpu.memory_space<hbm>>
      %dma_wait3A_627 = tpu.memref_slice %arg3[%mul3A_623] : memref<1000000xi32, #tpu.memory_space<hbm>> -> memref<80xi32, #tpu.memory_space<hbm>>
      tpu.wait_dma2 semaphore(%arg34 : memref<!tpu.dma_semaphore, #tpu.memory_space<semaphore_mem>>) src(%dma_wait3A_627 : memref<80xi32, #tpu.memory_space<hbm>>) dst(%arg13 : memref<80xi32, #tpu.memory_space<vmem>>)
      %get3A_628 = arith.constant 0 : index
      %get3A_629 = tpu.vector_load %arg9[%get3A_628] {strides = array<i32>} : memref<80xi32, #tpu.memory_space<vmem>>, vector<16xi32>,
      %get3A_630 = arith.constant 0 : index
      %get3A_631 = tpu.vector_load %arg13[%get3A_630] {strides = array<i32>} : memref<80xi32, #tpu.memory_space<vmem>>, vector<16xi32>,
      %gather3A_632 = tpu.vector_load_idx %arg7[%get3A_631] : memref<32768xi32, #tpu.memory_space<vmem>>[vector<16xi32>], vector<16xi32>,
      %sub3A_633 = arith.constant 1 : i32
      %sub3A_634 = vector.broadcast %sub3A_633 : i32 to vector<16xi32>
      %sub3A_635 = arith.subi %get3A_629, %sub3A_634 : vector<16xi32>
      %mul3A_636 = arith.constant 5 : i32
      %mul3A_637 = vector.broadcast %mul3A_636 : i32 to vector<16xi32>
      %mul3A_638 = arith.muli %sub3A_635, %mul3A_637 : vector<16xi32>
      %add3A_639 = arith.addi %mul3A_638, %gather3A_632 : vector<16xi32>
      %swap3A_640 = arith.constant 0 : index
      %swap3A_641 = tpu.vector_load %arg17[%swap3A_640] {strides = array<i32>} : memref<80xi32, #tpu.memory_space<vmem>>, vector<16xi32>,
      tpu.vector_store %arg17[%swap3A_640], %add3A_639 {strides = array<i32>} : memref<80xi32, #tpu.memory_space<vmem>>, vector<16xi32>,
      %get3A_642 = arith.constant 16 : index
      %get3A_643 = tpu.vector_load %arg9[%get3A_642] {strides = array<i32>} : memref<80xi32, #tpu.memory_space<vmem>>, vector<16xi32>,
      %get3A_644 = arith.constant 16 : index
      %get3A_645 = tpu.vector_load %arg13[%get3A_644] {strides = array<i32>} : memref<80xi32, #tpu.memory_space<vmem>>, vector<16xi32>,
      %gather3A_646 = tpu.vector_load_idx %arg7[%get3A_645] : memref<32768xi32, #tpu.memory_space<vmem>>[vector<16xi32>], vector<16xi32>,
      %sub3A_647 = arith.constant 1 : i32
      %sub3A_648 = vector.broadcast %sub3A_647 : i32 to vector<16xi32>
      %sub3A_649 = arith.subi %get3A_643, %sub3A_648 : vector<16xi32>
      %mul3A_650 = arith.constant 5 : i32
      %mul3A_651 = vector.broadcast %mul3A_650 : i32 to vector<16xi32>
      %mul3A_652 = arith.muli %sub3A_649, %mul3A_651 : vector<16xi32>
      %add3A_653 = arith.addi %mul3A_652, %gather3A_646 : vector<16xi32>
      %swap3A_654 = arith.constant 16 : index
      %swap3A_655 = tpu.vector_load %arg17[%swap3A_654] {strides = array<i32>} : memref<80xi32, #tpu.memory_space<vmem>>, vector<16xi32>,
      tpu.vector_store %arg17[%swap3A_654], %add3A_653 {strides = array<i32>} : memref<80xi32, #tpu.memory_space<vmem>>, vector<16xi32>,
      %get3A_656 = arith.constant 32 : index
      %get3A_657 = tpu.vector_load %arg9[%get3A_656] {strides = array<i32>} : memref<80xi32, #tpu.memory_space<vmem>>, vector<16xi32>,
      %get3A_658 = arith.constant 32 : index
      %get3A_659 = tpu.vector_load %arg13[%get3A_658] {strides = array<i32>} : memref<80xi32, #tpu.memory_space<vmem>>, vector<16xi32>,
      %gather3A_660 = tpu.vector_load_idx %arg7[%get3A_659] : memref<32768xi32, #tpu.memory_space<vmem>>[vector<16xi32>], vector<16xi32>,
      %sub3A_661 = arith.constant 1 : i32
      %sub3A_662 = vector.broadcast %sub3A_661 : i32 to vector<16xi32>
      %sub3A_663 = arith.subi %get3A_657, %sub3A_662 : vector<16xi32>
      %mul3A_664 = arith.constant 5 : i32
      %mul3A_665 = vector.broadcast %mul3A_664 : i32 to vector<16xi32>
      %mul3A_666 = arith.muli %sub3A_663, %mul3A_665 : vector<16xi32>
      %add3A_667 = arith.addi %mul3A_666, %gather3A_660 : vector<16xi32>
      %swap3A_668 = arith.constant 32 : index
      %swap3A_669 = tpu.vector_load %arg17[%swap3A_668] {strides = array<i32>} : memref<80xi32, #tpu.memory_space<vmem>>, vector<16xi32>,
      tpu.vector_store %arg17[%swap3A_668], %add3A_667 {strides = array<i32>} : memref<80xi32, #tpu.memory_space<vmem>>, vector<16xi32>,
      %get3A_670 = arith.constant 48 : index
      %get3A_671 = tpu.vector_load %arg9[%get3A_670] {strides = array<i32>} : memref<80xi32, #tpu.memory_space<vmem>>, vector<16xi32>,
      %get3A_672 = arith.constant 48 : index
      %get3A_673 = tpu.vector_load %arg13[%get3A_672] {strides = array<i32>} : memref<80xi32, #tpu.memory_space<vmem>>, vector<16xi32>,
      %gather3A_674 = tpu.vector_load_idx %arg7[%get3A_673] : memref<32768xi32, #tpu.memory_space<vmem>>[vector<16xi32>], vector<16xi32>,
      %sub3A_675 = arith.constant 1 : i32
      %sub3A_676 = vector.broadcast %sub3A_675 : i32 to vector<16xi32>
      %sub3A_677 = arith.subi %get3A_671, %sub3A_676 : vector<16xi32>
      %mul3A_678 = arith.constant 5 : i32
      %mul3A_679 = vector.broadcast %mul3A_678 : i32 to vector<16xi32>
      %mul3A_680 = arith.muli %sub3A_677, %mul3A_679 : vector<16xi32>
      %add3A_681 = arith.addi %mul3A_680, %gather3A_674 : vector<16xi32>
      %swap3A_682 = arith.constant 48 : index
      %swap3A_683 = tpu.vector_load %arg17[%swap3A_682] {strides = array<i32>} : memref<80xi32, #tpu.memory_space<vmem>>, vector<16xi32>,
      tpu.vector_store %arg17[%swap3A_682], %add3A_681 {strides = array<i32>} : memref<80xi32, #tpu.memory_space<vmem>>, vector<16xi32>,
      %get3A_684 = arith.constant 64 : index
      %get3A_685 = tpu.vector_load %arg9[%get3A_684] {strides = array<i32>} : memref<80xi32, #tpu.memory_space<vmem>>, vector<16xi32>,
      %get3A_686 = arith.constant 64 : index
      %get3A_687 = tpu.vector_load %arg13[%get3A_686] {strides = array<i32>} : memref<80xi32, #tpu.memory_space<vmem>>, vector<16xi32>,
      %gather3A_688 = tpu.vector_load_idx %arg7[%get3A_687] : memref<32768xi32, #tpu.memory_space<vmem>>[vector<16xi32>], vector<16xi32>,
      %sub3A_689 = arith.constant 1 : i32
      %sub3A_690 = vector.broadcast %sub3A_689 : i32 to vector<16xi32>
      %sub3A_691 = arith.subi %get3A_685, %sub3A_690 : vector<16xi32>
      %mul3A_692 = arith.constant 5 : i32
      %mul3A_693 = vector.broadcast %mul3A_692 : i32 to vector<16xi32>
      %mul3A_694 = arith.muli %sub3A_691, %mul3A_693 : vector<16xi32>
      %add3A_695 = arith.addi %mul3A_694, %gather3A_688 : vector<16xi32>
      %swap3A_696 = arith.constant 64 : index
      %swap3A_697 = tpu.vector_load %arg17[%swap3A_696] {strides = array<i32>} : memref<80xi32, #tpu.memory_space<vmem>>, vector<16xi32>,
      tpu.vector_store %arg17[%swap3A_696], %add3A_695 {strides = array<i32>} : memref<80xi32, #tpu.memory_space<vmem>>, vector<16xi32>,
      %mul3A_698 = arith.constant 4 : i32
      %mul3A_699 = arith.muli %mul3A_698, %scan3A_565 : i32
      %add3A_700 = arith.constant 1 : i32
      %add3A_701 = arith.addi %mul3A_699, %add3A_700 : i32
      %sub3A_702 = arith.constant 4 : i32
      %sub3A_703 = arith.subi %add3A_701, %sub3A_702 : i32
      %mul3A_704 = arith.constant 32 : i32
      %mul3A_705 = arith.muli %sub3A_703, %mul3A_704 : i32
      %add3A_706 = arith.addi %add3A, %mul3A_705 : i32
      %min3A_707 = arith.constant 12499 : i32
      %min3A_708 = arith.minsi %add3A_706, %min3A_707 : i32
      %mul3A_709 = arith.constant 80 : i32
      %mul3A_710 = arith.muli %min3A_708, %mul3A_709 : i32
      %dma_wait3A_711 = arith.constant 0 : i32
      %dma_wait3A_712 = tpu.memref_slice %arg6[%mul3A_710, %dma_wait3A_711] : memref<1000000x128xf32, #tpu.memory_space<hbm>> -> memref<80x128xf32, #tpu.memory_space<hbm>>
      %dma_wait3A_713 = arith.constant 0 : i32
      %dma_wait3A_714 = tpu.memref_slice %arg6[%mul3A_710, %dma_wait3A_713] : memref<1000000x128xf32, #tpu.memory_space<hbm>> -> memref<80x128xf32, #tpu.memory_space<hbm>>
      tpu.wait_dma2 semaphore(%arg30 : memref<!tpu.dma_semaphore, #tpu.memory_space<semaphore_mem>>) src(%arg21 : memref<80x128xf32, #tpu.memory_space<vmem>>) dst(%dma_wait3A_714 : memref<80x128xf32, #tpu.memory_space<hbm>>)
      %dma_start3A_715 = arith.constant 0 : i32
      %dma_start3A_716 = arith.constant 0 : i32
      %dma_start3A_717 = tpu.memref_slice %arg24[%dma_start3A_715, %dma_start3A_716] : memref<500x128xf32, #tpu.memory_space<vmem_shared>> -> memref<500x128xf32, #tpu.memory_space<vmem_shared>>
      tpu.enqueue_indirect_dma source(%dma_start3A_717 : memref<500x128xf32, #tpu.memory_space<vmem_shared>>) target(%arg21 : memref<80x128xf32, #tpu.memory_space<vmem>>) offsets(%arg17 : memref<80xi32, #tpu.memory_space<vmem>>) semaphore(%arg26 : memref<!tpu.dma_semaphore, #tpu.memory_space<semaphore_mem>>)
      %add3A_718 = arith.constant 2 : i32
      %add3A_719 = arith.addi %add3A_701, %add3A_718 : i32
      %mul3A_720 = arith.constant 32 : i32
      %mul3A_721 = arith.muli %add3A_719, %mul3A_720 : i32
      %add3A_722 = arith.addi %add3A, %mul3A_721 : i32
      %min3A_723 = arith.constant 12499 : i32
      %min3A_724 = arith.minsi %add3A_722, %min3A_723 : i32
      %mul3A_725 = arith.constant 80 : i32
      %mul3A_726 = arith.muli %min3A_724, %mul3A_725 : i32
      %dma_start3A_727 = tpu.memref_slice %arg2[%mul3A_726] : memref<1000000xi32, #tpu.memory_space<hbm>> -> memref<80xi32, #tpu.memory_space<hbm>>
      %dma_start3A_728 = tpu.memref_slice %arg2[%mul3A_726] : memref<1000000xi32, #tpu.memory_space<hbm>> -> memref<80xi32, #tpu.memory_space<hbm>>
      tpu.enqueue_dma source(%dma_start3A_728 : memref<80xi32, #tpu.memory_space<hbm>>) target(%arg11 : memref<80xi32, #tpu.memory_space<vmem>>) target_semaphore(%arg36 : memref<!tpu.dma_semaphore, #tpu.memory_space<semaphore_mem>>)
      %dma_start3A_729 = tpu.memref_slice %arg3[%mul3A_726] : memref<1000000xi32, #tpu.memory_space<hbm>> -> memref<80xi32, #tpu.memory_space<hbm>>
      %dma_start3A_730 = tpu.memref_slice %arg3[%mul3A_726] : memref<1000000xi32, #tpu.memory_space<hbm>> -> memref<80xi32, #tpu.memory_space<hbm>>
      tpu.enqueue_dma source(%dma_start3A_730 : memref<80xi32, #tpu.memory_space<hbm>>) target(%arg15 : memref<80xi32, #tpu.memory_space<vmem>>) target_semaphore(%arg36 : memref<!tpu.dma_semaphore, #tpu.memory_space<semaphore_mem>>)
      %dma_wait3A_731 = arith.constant 0 : i32
      %dma_wait3A_732 = arith.constant 0 : i32
      %dma_wait3A_733 = tpu.memref_slice %arg24[%dma_wait3A_731, %dma_wait3A_732] : memref<500x128xf32, #tpu.memory_space<vmem_shared>> -> memref<500x128xf32, #tpu.memory_space<vmem_shared>>
      tpu.wait_indirect_dma semaphore(%arg28 : memref<!tpu.dma_semaphore, #tpu.memory_space<semaphore_mem>>) src(%dma_wait3A_733 : memref<500x128xf32, #tpu.memory_space<vmem_shared>>) dst(%arg23 : memref<80x128xf32, #tpu.memory_space<vmem>>)
      %sub3A_734 = arith.constant 2 : i32
      %sub3A_735 = arith.subi %add3A_701, %sub3A_734 : i32
      %mul3A_736 = arith.constant 32 : i32
      %mul3A_737 = arith.muli %sub3A_735, %mul3A_736 : i32
      %add3A_738 = arith.addi %add3A, %mul3A_737 : i32
      %min3A_739 = arith.constant 12499 : i32
      %min3A_740 = arith.minsi %add3A_738, %min3A_739 : i32
      %mul3A_741 = arith.constant 80 : i32
      %mul3A_742 = arith.muli %min3A_740, %mul3A_741 : i32
      %dma_start3A_743 = arith.constant 0 : i32
      %dma_start3A_744 = tpu.memref_slice %arg6[%mul3A_742, %dma_start3A_743] : memref<1000000x128xf32, #tpu.memory_space<hbm>> -> memref<80x128xf32, #tpu.memory_space<hbm>>
      %dma_start3A_745 = arith.constant 0 : i32
      %dma_start3A_746 = tpu.memref_slice %arg6[%mul3A_742, %dma_start3A_745] : memref<1000000x128xf32, #tpu.memory_space<hbm>> -> memref<80x128xf32, #tpu.memory_space<hbm>>
      tpu.enqueue_dma source(%arg23 : memref<80x128xf32, #tpu.memory_space<vmem>>) target(%dma_start3A_746 : memref<80x128xf32, #tpu.memory_space<hbm>>) target_semaphore(%arg32 : memref<!tpu.dma_semaphore, #tpu.memory_space<semaphore_mem>>)
      %add3A_747 = arith.constant 1 : i32
      %add3A_748 = arith.addi %add3A_701, %add3A_747 : i32
      %mul3A_749 = arith.constant 32 : i32
      %mul3A_750 = arith.muli %add3A_748, %mul3A_749 : i32
      %add3A_751 = arith.addi %add3A, %mul3A_750 : i32
      %min3A_752 = arith.constant 12499 : i32
      %min3A_753 = arith.minsi %add3A_751, %min3A_752 : i32
      %mul3A_754 = arith.constant 80 : i32
      %mul3A_755 = arith.muli %min3A_753, %mul3A_754 : i32
      %dma_wait3A_756 = tpu.memref_slice %arg2[%mul3A_755] : memref<1000000xi32, #tpu.memory_space<hbm>> -> memref<80xi32, #tpu.memory_space<hbm>>
      %dma_wait3A_757 = tpu.memref_slice %arg2[%mul3A_755] : memref<1000000xi32, #tpu.memory_space<hbm>> -> memref<80xi32, #tpu.memory_space<hbm>>
      tpu.wait_dma2 semaphore(%arg35 : memref<!tpu.dma_semaphore, #tpu.memory_space<semaphore_mem>>) src(%dma_wait3A_757 : memref<80xi32, #tpu.memory_space<hbm>>) dst(%arg10 : memref<80xi32, #tpu.memory_space<vmem>>)
      %dma_wait3A_758 = tpu.memref_slice %arg3[%mul3A_755] : memref<1000000xi32, #tpu.memory_space<hbm>> -> memref<80xi32, #tpu.memory_space<hbm>>
      %dma_wait3A_759 = tpu.memref_slice %arg3[%mul3A_755] : memref<1000000xi32, #tpu.memory_space<hbm>> -> memref<80xi32, #tpu.memory_space<hbm>>
      tpu.wait_dma2 semaphore(%arg35 : memref<!tpu.dma_semaphore, #tpu.memory_space<semaphore_mem>>) src(%dma_wait3A_759 : memref<80xi32, #tpu.memory_space<hbm>>) dst(%arg14 : memref<80xi32, #tpu.memory_space<vmem>>)
      %get3A_760 = arith.constant 0 : index
      %get3A_761 = tpu.vector_load %arg10[%get3A_760] {strides = array<i32>} : memref<80xi32, #tpu.memory_space<vmem>>, vector<16xi32>,
      %get3A_762 = arith.constant 0 : index
      %get3A_763 = tpu.vector_load %arg14[%get3A_762] {strides = array<i32>} : memref<80xi32, #tpu.memory_space<vmem>>, vector<16xi32>,
      %gather3A_764 = tpu.vector_load_idx %arg7[%get3A_763] : memref<32768xi32, #tpu.memory_space<vmem>>[vector<16xi32>], vector<16xi32>,
      %sub3A_765 = arith.constant 1 : i32
      %sub3A_766 = vector.broadcast %sub3A_765 : i32 to vector<16xi32>
      %sub3A_767 = arith.subi %get3A_761, %sub3A_766 : vector<16xi32>
      %mul3A_768 = arith.constant 5 : i32
      %mul3A_769 = vector.broadcast %mul3A_768 : i32 to vector<16xi32>
      %mul3A_770 = arith.muli %sub3A_767, %mul3A_769 : vector<16xi32>
      %add3A_771 = arith.addi %mul3A_770, %gather3A_764 : vector<16xi32>
      %swap3A_772 = arith.constant 0 : index
      %swap3A_773 = tpu.vector_load %arg18[%swap3A_772] {strides = array<i32>} : memref<80xi32, #tpu.memory_space<vmem>>, vector<16xi32>,
      tpu.vector_store %arg18[%swap3A_772], %add3A_771 {strides = array<i32>} : memref<80xi32, #tpu.memory_space<vmem>>, vector<16xi32>,
      %get3A_774 = arith.constant 16 : index
      %get3A_775 = tpu.vector_load %arg10[%get3A_774] {strides = array<i32>} : memref<80xi32, #tpu.memory_space<vmem>>, vector<16xi32>,
      %get3A_776 = arith.constant 16 : index
      %get3A_777 = tpu.vector_load %arg14[%get3A_776] {strides = array<i32>} : memref<80xi32, #tpu.memory_space<vmem>>, vector<16xi32>,
      %gather3A_778 = tpu.vector_load_idx %arg7[%get3A_777] : memref<32768xi32, #tpu.memory_space<vmem>>[vector<16xi32>], vector<16xi32>,
      %sub3A_779 = arith.constant 1 : i32
      %sub3A_780 = vector.broadcast %sub3A_779 : i32 to vector<16xi32>
      %sub3A_781 = arith.subi %get3A_775, %sub3A_780 : vector<16xi32>
      %mul3A_782 = arith.constant 5 : i32
      %mul3A_783 = vector.broadcast %mul3A_782 : i32 to vector<16xi32>
      %mul3A_784 = arith.muli %sub3A_781, %mul3A_783 : vector<16xi32>
      %add3A_785 = arith.addi %mul3A_784, %gather3A_778 : vector<16xi32>
      %swap3A_786 = arith.constant 16 : index
      %swap3A_787 = tpu.vector_load %arg18[%swap3A_786] {strides = array<i32>} : memref<80xi32, #tpu.memory_space<vmem>>, vector<16xi32>,
      tpu.vector_store %arg18[%swap3A_786], %add3A_785 {strides = array<i32>} : memref<80xi32, #tpu.memory_space<vmem>>, vector<16xi32>,
      %get3A_788 = arith.constant 32 : index
      %get3A_789 = tpu.vector_load %arg10[%get3A_788] {strides = array<i32>} : memref<80xi32, #tpu.memory_space<vmem>>, vector<16xi32>,
      %get3A_790 = arith.constant 32 : index
      %get3A_791 = tpu.vector_load %arg14[%get3A_790] {strides = array<i32>} : memref<80xi32, #tpu.memory_space<vmem>>, vector<16xi32>,
      %gather3A_792 = tpu.vector_load_idx %arg7[%get3A_791] : memref<32768xi32, #tpu.memory_space<vmem>>[vector<16xi32>], vector<16xi32>,
      %sub3A_793 = arith.constant 1 : i32
      %sub3A_794 = vector.broadcast %sub3A_793 : i32 to vector<16xi32>
      %sub3A_795 = arith.subi %get3A_789, %sub3A_794 : vector<16xi32>
      %mul3A_796 = arith.constant 5 : i32
      %mul3A_797 = vector.broadcast %mul3A_796 : i32 to vector<16xi32>
      %mul3A_798 = arith.muli %sub3A_795, %mul3A_797 : vector<16xi32>
      %add3A_799 = arith.addi %mul3A_798, %gather3A_792 : vector<16xi32>
      %swap3A_800 = arith.constant 32 : index
      %swap3A_801 = tpu.vector_load %arg18[%swap3A_800] {strides = array<i32>} : memref<80xi32, #tpu.memory_space<vmem>>, vector<16xi32>,
      tpu.vector_store %arg18[%swap3A_800], %add3A_799 {strides = array<i32>} : memref<80xi32, #tpu.memory_space<vmem>>, vector<16xi32>,
      %get3A_802 = arith.constant 48 : index
      %get3A_803 = tpu.vector_load %arg10[%get3A_802] {strides = array<i32>} : memref<80xi32, #tpu.memory_space<vmem>>, vector<16xi32>,
      %get3A_804 = arith.constant 48 : index
      %get3A_805 = tpu.vector_load %arg14[%get3A_804] {strides = array<i32>} : memref<80xi32, #tpu.memory_space<vmem>>, vector<16xi32>,
      %gather3A_806 = tpu.vector_load_idx %arg7[%get3A_805] : memref<32768xi32, #tpu.memory_space<vmem>>[vector<16xi32>], vector<16xi32>,
      %sub3A_807 = arith.constant 1 : i32
      %sub3A_808 = vector.broadcast %sub3A_807 : i32 to vector<16xi32>
      %sub3A_809 = arith.subi %get3A_803, %sub3A_808 : vector<16xi32>
      %mul3A_810 = arith.constant 5 : i32
      %mul3A_811 = vector.broadcast %mul3A_810 : i32 to vector<16xi32>
      %mul3A_812 = arith.muli %sub3A_809, %mul3A_811 : vector<16xi32>
      %add3A_813 = arith.addi %mul3A_812, %gather3A_806 : vector<16xi32>
      %swap3A_814 = arith.constant 48 : index
      %swap3A_815 = tpu.vector_load %arg18[%swap3A_814] {strides = array<i32>} : memref<80xi32, #tpu.memory_space<vmem>>, vector<16xi32>,
      tpu.vector_store %arg18[%swap3A_814], %add3A_813 {strides = array<i32>} : memref<80xi32, #tpu.memory_space<vmem>>, vector<16xi32>,
      %get3A_816 = arith.constant 64 : index
      %get3A_817 = tpu.vector_load %arg10[%get3A_816] {strides = array<i32>} : memref<80xi32, #tpu.memory_space<vmem>>, vector<16xi32>,
      %get3A_818 = arith.constant 64 : index
      %get3A_819 = tpu.vector_load %arg14[%get3A_818] {strides = array<i32>} : memref<80xi32, #tpu.memory_space<vmem>>, vector<16xi32>,
      %gather3A_820 = tpu.vector_load_idx %arg7[%get3A_819] : memref<32768xi32, #tpu.memory_space<vmem>>[vector<16xi32>], vector<16xi32>,
      %sub3A_821 = arith.constant 1 : i32
      %sub3A_822 = vector.broadcast %sub3A_821 : i32 to vector<16xi32>
      %sub3A_823 = arith.subi %get3A_817, %sub3A_822 : vector<16xi32>
      %mul3A_824 = arith.constant 5 : i32
      %mul3A_825 = vector.broadcast %mul3A_824 : i32 to vector<16xi32>
      %mul3A_826 = arith.muli %sub3A_823, %mul3A_825 : vector<16xi32>
      %add3A_827 = arith.addi %mul3A_826, %gather3A_820 : vector<16xi32>
      %swap3A_828 = arith.constant 64 : index
      %swap3A_829 = tpu.vector_load %arg18[%swap3A_828] {strides = array<i32>} : memref<80xi32, #tpu.memory_space<vmem>>, vector<16xi32>,
      tpu.vector_store %arg18[%swap3A_828], %add3A_827 {strides = array<i32>} : memref<80xi32, #tpu.memory_space<vmem>>, vector<16xi32>,
      %mul3A_830 = arith.constant 4 : i32
      %mul3A_831 = arith.muli %mul3A_830, %scan3A_565 : i32
      %add3A_832 = arith.constant 2 : i32
      %add3A_833 = arith.addi %mul3A_831, %add3A_832 : i32
      %sub3A_834 = arith.constant 4 : i32
      %sub3A_835 = arith.subi %add3A_833, %sub3A_834 : i32
      %mul3A_836 = arith.constant 32 : i32
      %mul3A_837 = arith.muli %sub3A_835, %mul3A_836 : i32
      %add3A_838 = arith.addi %add3A, %mul3A_837 : i32
      %min3A_839 = arith.constant 12499 : i32
      %min3A_840 = arith.minsi %add3A_838, %min3A_839 : i32
      %mul3A_841 = arith.constant 80 : i32
      %mul3A_842 = arith.muli %min3A_840, %mul3A_841 : i32
      %dma_wait3A_843 = arith.constant 0 : i32
      %dma_wait3A_844 = tpu.memref_slice %arg6[%mul3A_842, %dma_wait3A_843] : memref<1000000x128xf32, #tpu.memory_space<hbm>> -> memref<80x128xf32, #tpu.memory_space<hbm>>
      %dma_wait3A_845 = arith.constant 0 : i32
      %dma_wait3A_846 = tpu.memref_slice %arg6[%mul3A_842, %dma_wait3A_845] : memref<1000000x128xf32, #tpu.memory_space<hbm>> -> memref<80x128xf32, #tpu.memory_space<hbm>>
      tpu.wait_dma2 semaphore(%arg31 : memref<!tpu.dma_semaphore, #tpu.memory_space<semaphore_mem>>) src(%arg22 : memref<80x128xf32, #tpu.memory_space<vmem>>) dst(%dma_wait3A_846 : memref<80x128xf32, #tpu.memory_space<hbm>>)
      %dma_start3A_847 = arith.constant 0 : i32
      %dma_start3A_848 = arith.constant 0 : i32
      %dma_start3A_849 = tpu.memref_slice %arg24[%dma_start3A_847, %dma_start3A_848] : memref<500x128xf32, #tpu.memory_space<vmem_shared>> -> memref<500x128xf32, #tpu.memory_space<vmem_shared>>
      tpu.enqueue_indirect_dma source(%dma_start3A_849 : memref<500x128xf32, #tpu.memory_space<vmem_shared>>) target(%arg22 : memref<80x128xf32, #tpu.memory_space<vmem>>) offsets(%arg18 : memref<80xi32, #tpu.memory_space<vmem>>) semaphore(%arg27 : memref<!tpu.dma_semaphore, #tpu.memory_space<semaphore_mem>>)
      %add3A_850 = arith.constant 2 : i32
      %add3A_851 = arith.addi %add3A_833, %add3A_850 : i32
      %mul3A_852 = arith.constant 32 : i32
      %mul3A_853 = arith.muli %add3A_851, %mul3A_852 : i32
      %add3A_854 = arith.addi %add3A, %mul3A_853 : i32
      %min3A_855 = arith.constant 12499 : i32
      %min3A_856 = arith.minsi %add3A_854, %min3A_855 : i32
      %mul3A_857 = arith.constant 80 : i32
      %mul3A_858 = arith.muli %min3A_856, %mul3A_857 : i32
      %dma_start3A_859 = tpu.memref_slice %arg2[%mul3A_858] : memref<1000000xi32, #tpu.memory_space<hbm>> -> memref<80xi32, #tpu.memory_space<hbm>>
      %dma_start3A_860 = tpu.memref_slice %arg2[%mul3A_858] : memref<1000000xi32, #tpu.memory_space<hbm>> -> memref<80xi32, #tpu.memory_space<hbm>>
      tpu.enqueue_dma source(%dma_start3A_860 : memref<80xi32, #tpu.memory_space<hbm>>) target(%arg8 : memref<80xi32, #tpu.memory_space<vmem>>) target_semaphore(%arg33 : memref<!tpu.dma_semaphore, #tpu.memory_space<semaphore_mem>>)
      %dma_start3A_861 = tpu.memref_slice %arg3[%mul3A_858] : memref<1000000xi32, #tpu.memory_space<hbm>> -> memref<80xi32, #tpu.memory_space<hbm>>
      %dma_start3A_862 = tpu.memref_slice %arg3[%mul3A_858] : memref<1000000xi32, #tpu.memory_space<hbm>> -> memref<80xi32, #tpu.memory_space<hbm>>
      tpu.enqueue_dma source(%dma_start3A_862 : memref<80xi32, #tpu.memory_space<hbm>>) target(%arg12 : memref<80xi32, #tpu.memory_space<vmem>>) target_semaphore(%arg33 : memref<!tpu.dma_semaphore, #tpu.memory_space<semaphore_mem>>)
      %dma_wait3A_863 = arith.constant 0 : i32
      %dma_wait3A_864 = arith.constant 0 : i32
      %dma_wait3A_865 = tpu.memref_slice %arg24[%dma_wait3A_863, %dma_wait3A_864] : memref<500x128xf32, #tpu.memory_space<vmem_shared>> -> memref<500x128xf32, #tpu.memory_space<vmem_shared>>
      tpu.wait_indirect_dma semaphore(%arg25 : memref<!tpu.dma_semaphore, #tpu.memory_space<semaphore_mem>>) src(%dma_wait3A_865 : memref<500x128xf32, #tpu.memory_space<vmem_shared>>) dst(%arg20 : memref<80x128xf32, #tpu.memory_space<vmem>>)
      %sub3A_866 = arith.constant 2 : i32
      %sub3A_867 = arith.subi %add3A_833, %sub3A_866 : i32
      %mul3A_868 = arith.constant 32 : i32
      %mul3A_869 = arith.muli %sub3A_867, %mul3A_868 : i32
      %add3A_870 = arith.addi %add3A, %mul3A_869 : i32
      %min3A_871 = arith.constant 12499 : i32
      %min3A_872 = arith.minsi %add3A_870, %min3A_871 : i32
      %mul3A_873 = arith.constant 80 : i32
      %mul3A_874 = arith.muli %min3A_872, %mul3A_873 : i32
      %dma_start3A_875 = arith.constant 0 : i32
      %dma_start3A_876 = tpu.memref_slice %arg6[%mul3A_874, %dma_start3A_875] : memref<1000000x128xf32, #tpu.memory_space<hbm>> -> memref<80x128xf32, #tpu.memory_space<hbm>>
      %dma_start3A_877 = arith.constant 0 : i32
      %dma_start3A_878 = tpu.memref_slice %arg6[%mul3A_874, %dma_start3A_877] : memref<1000000x128xf32, #tpu.memory_space<hbm>> -> memref<80x128xf32, #tpu.memory_space<hbm>>
      tpu.enqueue_dma source(%arg20 : memref<80x128xf32, #tpu.memory_space<vmem>>) target(%dma_start3A_878 : memref<80x128xf32, #tpu.memory_space<hbm>>) target_semaphore(%arg29 : memref<!tpu.dma_semaphore, #tpu.memory_space<semaphore_mem>>)
      %add3A_879 = arith.constant 1 : i32
      %add3A_880 = arith.addi %add3A_833, %add3A_879 : i32
      %mul3A_881 = arith.constant 32 : i32
      %mul3A_882 = arith.muli %add3A_880, %mul3A_881 : i32
      %add3A_883 = arith.addi %add3A, %mul3A_882 : i32
      %min3A_884 = arith.constant 12499 : i32
      %min3A_885 = arith.minsi %add3A_883, %min3A_884 : i32
      %mul3A_886 = arith.constant 80 : i32
      %mul3A_887 = arith.muli %min3A_885, %mul3A_886 : i32
      %dma_wait3A_888 = tpu.memref_slice %arg2[%mul3A_887] : memref<1000000xi32, #tpu.memory_space<hbm>> -> memref<80xi32, #tpu.memory_space<hbm>>
      %dma_wait3A_889 = tpu.memref_slice %arg2[%mul3A_887] : memref<1000000xi32, #tpu.memory_space<hbm>> -> memref<80xi32, #tpu.memory_space<hbm>>
      tpu.wait_dma2 semaphore(%arg36 : memref<!tpu.dma_semaphore, #tpu.memory_space<semaphore_mem>>) src(%dma_wait3A_889 : memref<80xi32, #tpu.memory_space<hbm>>) dst(%arg11 : memref<80xi32, #tpu.memory_space<vmem>>)
      %dma_wait3A_890 = tpu.memref_slice %arg3[%mul3A_887] : memref<1000000xi32, #tpu.memory_space<hbm>> -> memref<80xi32, #tpu.memory_space<hbm>>
      %dma_wait3A_891 = tpu.memref_slice %arg3[%mul3A_887] : memref<1000000xi32, #tpu.memory_space<hbm>> -> memref<80xi32, #tpu.memory_space<hbm>>
      tpu.wait_dma2 semaphore(%arg36 : memref<!tpu.dma_semaphore, #tpu.memory_space<semaphore_mem>>) src(%dma_wait3A_891 : memref<80xi32, #tpu.memory_space<hbm>>) dst(%arg15 : memref<80xi32, #tpu.memory_space<vmem>>)
      %get3A_892 = arith.constant 0 : index
      %get3A_893 = tpu.vector_load %arg11[%get3A_892] {strides = array<i32>} : memref<80xi32, #tpu.memory_space<vmem>>, vector<16xi32>,
      %get3A_894 = arith.constant 0 : index
      %get3A_895 = tpu.vector_load %arg15[%get3A_894] {strides = array<i32>} : memref<80xi32, #tpu.memory_space<vmem>>, vector<16xi32>,
      %gather3A_896 = tpu.vector_load_idx %arg7[%get3A_895] : memref<32768xi32, #tpu.memory_space<vmem>>[vector<16xi32>], vector<16xi32>,
      %sub3A_897 = arith.constant 1 : i32
      %sub3A_898 = vector.broadcast %sub3A_897 : i32 to vector<16xi32>
      %sub3A_899 = arith.subi %get3A_893, %sub3A_898 : vector<16xi32>
      %mul3A_900 = arith.constant 5 : i32
      %mul3A_901 = vector.broadcast %mul3A_900 : i32 to vector<16xi32>
      %mul3A_902 = arith.muli %sub3A_899, %mul3A_901 : vector<16xi32>
      %add3A_903 = arith.addi %mul3A_902, %gather3A_896 : vector<16xi32>
      %swap3A_904 = arith.constant 0 : index
      %swap3A_905 = tpu.vector_load %arg19[%swap3A_904] {strides = array<i32>} : memref<80xi32, #tpu.memory_space<vmem>>, vector<16xi32>,
      tpu.vector_store %arg19[%swap3A_904], %add3A_903 {strides = array<i32>} : memref<80xi32, #tpu.memory_space<vmem>>, vector<16xi32>,
      %get3A_906 = arith.constant 16 : index
      %get3A_907 = tpu.vector_load %arg11[%get3A_906] {strides = array<i32>} : memref<80xi32, #tpu.memory_space<vmem>>, vector<16xi32>,
      %get3A_908 = arith.constant 16 : index
      %get3A_909 = tpu.vector_load %arg15[%get3A_908] {strides = array<i32>} : memref<80xi32, #tpu.memory_space<vmem>>, vector<16xi32>,
      %gather3A_910 = tpu.vector_load_idx %arg7[%get3A_909] : memref<32768xi32, #tpu.memory_space<vmem>>[vector<16xi32>], vector<16xi32>,
      %sub3A_911 = arith.constant 1 : i32
      %sub3A_912 = vector.broadcast %sub3A_911 : i32 to vector<16xi32>
      %sub3A_913 = arith.subi %get3A_907, %sub3A_912 : vector<16xi32>
      %mul3A_914 = arith.constant 5 : i32
      %mul3A_915 = vector.broadcast %mul3A_914 : i32 to vector<16xi32>
      %mul3A_916 = arith.muli %sub3A_913, %mul3A_915 : vector<16xi32>
      %add3A_917 = arith.addi %mul3A_916, %gather3A_910 : vector<16xi32>
      %swap3A_918 = arith.constant 16 : index
      %swap3A_919 = tpu.vector_load %arg19[%swap3A_918] {strides = array<i32>} : memref<80xi32, #tpu.memory_space<vmem>>, vector<16xi32>,
      tpu.vector_store %arg19[%swap3A_918], %add3A_917 {strides = array<i32>} : memref<80xi32, #tpu.memory_space<vmem>>, vector<16xi32>,
      %get3A_920 = arith.constant 32 : index
      %get3A_921 = tpu.vector_load %arg11[%get3A_920] {strides = array<i32>} : memref<80xi32, #tpu.memory_space<vmem>>, vector<16xi32>,
      %get3A_922 = arith.constant 32 : index
      %get3A_923 = tpu.vector_load %arg15[%get3A_922] {strides = array<i32>} : memref<80xi32, #tpu.memory_space<vmem>>, vector<16xi32>,
      %gather3A_924 = tpu.vector_load_idx %arg7[%get3A_923] : memref<32768xi32, #tpu.memory_space<vmem>>[vector<16xi32>], vector<16xi32>,
      %sub3A_925 = arith.constant 1 : i32
      %sub3A_926 = vector.broadcast %sub3A_925 : i32 to vector<16xi32>
      %sub3A_927 = arith.subi %get3A_921, %sub3A_926 : vector<16xi32>
      %mul3A_928 = arith.constant 5 : i32
      %mul3A_929 = vector.broadcast %mul3A_928 : i32 to vector<16xi32>
      %mul3A_930 = arith.muli %sub3A_927, %mul3A_929 : vector<16xi32>
      %add3A_931 = arith.addi %mul3A_930, %gather3A_924 : vector<16xi32>
      %swap3A_932 = arith.constant 32 : index
      %swap3A_933 = tpu.vector_load %arg19[%swap3A_932] {strides = array<i32>} : memref<80xi32, #tpu.memory_space<vmem>>, vector<16xi32>,
      tpu.vector_store %arg19[%swap3A_932], %add3A_931 {strides = array<i32>} : memref<80xi32, #tpu.memory_space<vmem>>, vector<16xi32>,
      %get3A_934 = arith.constant 48 : index
      %get3A_935 = tpu.vector_load %arg11[%get3A_934] {strides = array<i32>} : memref<80xi32, #tpu.memory_space<vmem>>, vector<16xi32>,
      %get3A_936 = arith.constant 48 : index
      %get3A_937 = tpu.vector_load %arg15[%get3A_936] {strides = array<i32>} : memref<80xi32, #tpu.memory_space<vmem>>, vector<16xi32>,
      %gather3A_938 = tpu.vector_load_idx %arg7[%get3A_937] : memref<32768xi32, #tpu.memory_space<vmem>>[vector<16xi32>], vector<16xi32>,
      %sub3A_939 = arith.constant 1 : i32
      %sub3A_940 = vector.broadcast %sub3A_939 : i32 to vector<16xi32>
      %sub3A_941 = arith.subi %get3A_935, %sub3A_940 : vector<16xi32>
      %mul3A_942 = arith.constant 5 : i32
      %mul3A_943 = vector.broadcast %mul3A_942 : i32 to vector<16xi32>
      %mul3A_944 = arith.muli %sub3A_941, %mul3A_943 : vector<16xi32>
      %add3A_945 = arith.addi %mul3A_944, %gather3A_938 : vector<16xi32>
      %swap3A_946 = arith.constant 48 : index
      %swap3A_947 = tpu.vector_load %arg19[%swap3A_946] {strides = array<i32>} : memref<80xi32, #tpu.memory_space<vmem>>, vector<16xi32>,
      tpu.vector_store %arg19[%swap3A_946], %add3A_945 {strides = array<i32>} : memref<80xi32, #tpu.memory_space<vmem>>, vector<16xi32>,
      %get3A_948 = arith.constant 64 : index
      %get3A_949 = tpu.vector_load %arg11[%get3A_948] {strides = array<i32>} : memref<80xi32, #tpu.memory_space<vmem>>, vector<16xi32>,
      %get3A_950 = arith.constant 64 : index
      %get3A_951 = tpu.vector_load %arg15[%get3A_950] {strides = array<i32>} : memref<80xi32, #tpu.memory_space<vmem>>, vector<16xi32>,
      %gather3A_952 = tpu.vector_load_idx %arg7[%get3A_951] : memref<32768xi32, #tpu.memory_space<vmem>>[vector<16xi32>], vector<16xi32>,
      %sub3A_953 = arith.constant 1 : i32
      %sub3A_954 = vector.broadcast %sub3A_953 : i32 to vector<16xi32>
      %sub3A_955 = arith.subi %get3A_949, %sub3A_954 : vector<16xi32>
      %mul3A_956 = arith.constant 5 : i32
      %mul3A_957 = vector.broadcast %mul3A_956 : i32 to vector<16xi32>
      %mul3A_958 = arith.muli %sub3A_955, %mul3A_957 : vector<16xi32>
      %add3A_959 = arith.addi %mul3A_958, %gather3A_952 : vector<16xi32>
      %swap3A_960 = arith.constant 64 : index
      %swap3A_961 = tpu.vector_load %arg19[%swap3A_960] {strides = array<i32>} : memref<80xi32, #tpu.memory_space<vmem>>, vector<16xi32>,
      tpu.vector_store %arg19[%swap3A_960], %add3A_959 {strides = array<i32>} : memref<80xi32, #tpu.memory_space<vmem>>, vector<16xi32>,
      %mul3A_962 = arith.constant 4 : i32
      %mul3A_963 = arith.muli %mul3A_962, %scan3A_565 : i32
      %add3A_964 = arith.constant 3 : i32
      %add3A_965 = arith.addi %mul3A_963, %add3A_964 : i32
      %sub3A_966 = arith.constant 4 : i32
      %sub3A_967 = arith.subi %add3A_965, %sub3A_966 : i32
      %mul3A_968 = arith.constant 32 : i32
      %mul3A_969 = arith.muli %sub3A_967, %mul3A_968 : i32
      %add3A_970 = arith.addi %add3A, %mul3A_969 : i32
      %min3A_971 = arith.constant 12499 : i32
      %min3A_972 = arith.minsi %add3A_970, %min3A_971 : i32
      %mul3A_973 = arith.constant 80 : i32
      %mul3A_974 = arith.muli %min3A_972, %mul3A_973 : i32
      %dma_wait3A_975 = arith.constant 0 : i32
      %dma_wait3A_976 = tpu.memref_slice %arg6[%mul3A_974, %dma_wait3A_975] : memref<1000000x128xf32, #tpu.memory_space<hbm>> -> memref<80x128xf32, #tpu.memory_space<hbm>>
      %dma_wait3A_977 = arith.constant 0 : i32
      %dma_wait3A_978 = tpu.memref_slice %arg6[%mul3A_974, %dma_wait3A_977] : memref<1000000x128xf32, #tpu.memory_space<hbm>> -> memref<80x128xf32, #tpu.memory_space<hbm>>
      tpu.wait_dma2 semaphore(%arg32 : memref<!tpu.dma_semaphore, #tpu.memory_space<semaphore_mem>>) src(%arg23 : memref<80x128xf32, #tpu.memory_space<vmem>>) dst(%dma_wait3A_978 : memref<80x128xf32, #tpu.memory_space<hbm>>)
      %dma_start3A_979 = arith.constant 0 : i32
      %dma_start3A_980 = arith.constant 0 : i32
      %dma_start3A_981 = tpu.memref_slice %arg24[%dma_start3A_979, %dma_start3A_980] : memref<500x128xf32, #tpu.memory_space<vmem_shared>> -> memref<500x128xf32, #tpu.memory_space<vmem_shared>>
      tpu.enqueue_indirect_dma source(%dma_start3A_981 : memref<500x128xf32, #tpu.memory_space<vmem_shared>>) target(%arg23 : memref<80x128xf32, #tpu.memory_space<vmem>>) offsets(%arg19 : memref<80xi32, #tpu.memory_space<vmem>>) semaphore(%arg28 : memref<!tpu.dma_semaphore, #tpu.memory_space<semaphore_mem>>)
      %add3A_982 = arith.constant 2 : i32
      %add3A_983 = arith.addi %add3A_965, %add3A_982 : i32
      %mul3A_984 = arith.constant 32 : i32
      %mul3A_985 = arith.muli %add3A_983, %mul3A_984 : i32
      %add3A_986 = arith.addi %add3A, %mul3A_985 : i32
      %min3A_987 = arith.constant 12499 : i32
      %min3A_988 = arith.minsi %add3A_986, %min3A_987 : i32
      %mul3A_989 = arith.constant 80 : i32
      %mul3A_990 = arith.muli %min3A_988, %mul3A_989 : i32
      %dma_start3A_991 = tpu.memref_slice %arg2[%mul3A_990] : memref<1000000xi32, #tpu.memory_space<hbm>> -> memref<80xi32, #tpu.memory_space<hbm>>
      %dma_start3A_992 = tpu.memref_slice %arg2[%mul3A_990] : memref<1000000xi32, #tpu.memory_space<hbm>> -> memref<80xi32, #tpu.memory_space<hbm>>
      tpu.enqueue_dma source(%dma_start3A_992 : memref<80xi32, #tpu.memory_space<hbm>>) target(%arg9 : memref<80xi32, #tpu.memory_space<vmem>>) target_semaphore(%arg34 : memref<!tpu.dma_semaphore, #tpu.memory_space<semaphore_mem>>)
      %dma_start3A_993 = tpu.memref_slice %arg3[%mul3A_990] : memref<1000000xi32, #tpu.memory_space<hbm>> -> memref<80xi32, #tpu.memory_space<hbm>>
      %dma_start3A_994 = tpu.memref_slice %arg3[%mul3A_990] : memref<1000000xi32, #tpu.memory_space<hbm>> -> memref<80xi32, #tpu.memory_space<hbm>>
      tpu.enqueue_dma source(%dma_start3A_994 : memref<80xi32, #tpu.memory_space<hbm>>) target(%arg13 : memref<80xi32, #tpu.memory_space<vmem>>) target_semaphore(%arg34 : memref<!tpu.dma_semaphore, #tpu.memory_space<semaphore_mem>>)
      %dma_wait3A_995 = arith.constant 0 : i32
      %dma_wait3A_996 = arith.constant 0 : i32
      %dma_wait3A_997 = tpu.memref_slice %arg24[%dma_wait3A_995, %dma_wait3A_996] : memref<500x128xf32, #tpu.memory_space<vmem_shared>> -> memref<500x128xf32, #tpu.memory_space<vmem_shared>>
      tpu.wait_indirect_dma semaphore(%arg26 : memref<!tpu.dma_semaphore, #tpu.memory_space<semaphore_mem>>) src(%dma_wait3A_997 : memref<500x128xf32, #tpu.memory_space<vmem_shared>>) dst(%arg21 : memref<80x128xf32, #tpu.memory_space<vmem>>)
      %sub3A_998 = arith.constant 2 : i32
      %sub3A_999 = arith.subi %add3A_965, %sub3A_998 : i32
      %mul3A_1000 = arith.constant 32 : i32
      %mul3A_1001 = arith.muli %sub3A_999, %mul3A_1000 : i32
      %add3A_1002 = arith.addi %add3A, %mul3A_1001 : i32
      %min3A_1003 = arith.constant 12499 : i32
      %min3A_1004 = arith.minsi %add3A_1002, %min3A_1003 : i32
      %mul3A_1005 = arith.constant 80 : i32
      %mul3A_1006 = arith.muli %min3A_1004, %mul3A_1005 : i32
      %dma_start3A_1007 = arith.constant 0 : i32
      %dma_start3A_1008 = tpu.memref_slice %arg6[%mul3A_1006, %dma_start3A_1007] : memref<1000000x128xf32, #tpu.memory_space<hbm>> -> memref<80x128xf32, #tpu.memory_space<hbm>>
      %dma_start3A_1009 = arith.constant 0 : i32
      %dma_start3A_1010 = tpu.memref_slice %arg6[%mul3A_1006, %dma_start3A_1009] : memref<1000000x128xf32, #tpu.memory_space<hbm>> -> memref<80x128xf32, #tpu.memory_space<hbm>>
      tpu.enqueue_dma source(%arg21 : memref<80x128xf32, #tpu.memory_space<vmem>>) target(%dma_start3A_1010 : memref<80x128xf32, #tpu.memory_space<hbm>>) target_semaphore(%arg30 : memref<!tpu.dma_semaphore, #tpu.memory_space<semaphore_mem>>)
      %add3A_1011 = arith.constant 1 : i32
      %add3A_1012 = arith.addi %add3A_965, %add3A_1011 : i32
      %mul3A_1013 = arith.constant 32 : i32
      %mul3A_1014 = arith.muli %add3A_1012, %mul3A_1013 : i32
      %add3A_1015 = arith.addi %add3A, %mul3A_1014 : i32
      %min3A_1016 = arith.constant 12499 : i32
      %min3A_1017 = arith.minsi %add3A_1015, %min3A_1016 : i32
      %mul3A_1018 = arith.constant 80 : i32
      %mul3A_1019 = arith.muli %min3A_1017, %mul3A_1018 : i32
      %dma_wait3A_1020 = tpu.memref_slice %arg2[%mul3A_1019] : memref<1000000xi32, #tpu.memory_space<hbm>> -> memref<80xi32, #tpu.memory_space<hbm>>
      %dma_wait3A_1021 = tpu.memref_slice %arg2[%mul3A_1019] : memref<1000000xi32, #tpu.memory_space<hbm>> -> memref<80xi32, #tpu.memory_space<hbm>>
      tpu.wait_dma2 semaphore(%arg33 : memref<!tpu.dma_semaphore, #tpu.memory_space<semaphore_mem>>) src(%dma_wait3A_1021 : memref<80xi32, #tpu.memory_space<hbm>>) dst(%arg8 : memref<80xi32, #tpu.memory_space<vmem>>)
      %dma_wait3A_1022 = tpu.memref_slice %arg3[%mul3A_1019] : memref<1000000xi32, #tpu.memory_space<hbm>> -> memref<80xi32, #tpu.memory_space<hbm>>
      %dma_wait3A_1023 = tpu.memref_slice %arg3[%mul3A_1019] : memref<1000000xi32, #tpu.memory_space<hbm>> -> memref<80xi32, #tpu.memory_space<hbm>>
      tpu.wait_dma2 semaphore(%arg33 : memref<!tpu.dma_semaphore, #tpu.memory_space<semaphore_mem>>) src(%dma_wait3A_1023 : memref<80xi32, #tpu.memory_space<hbm>>) dst(%arg12 : memref<80xi32, #tpu.memory_space<vmem>>)
      %get3A_1024 = arith.constant 0 : index
      %get3A_1025 = tpu.vector_load %arg8[%get3A_1024] {strides = array<i32>} : memref<80xi32, #tpu.memory_space<vmem>>, vector<16xi32>,
      %get3A_1026 = arith.constant 0 : index
      %get3A_1027 = tpu.vector_load %arg12[%get3A_1026] {strides = array<i32>} : memref<80xi32, #tpu.memory_space<vmem>>, vector<16xi32>,
      %gather3A_1028 = tpu.vector_load_idx %arg7[%get3A_1027] : memref<32768xi32, #tpu.memory_space<vmem>>[vector<16xi32>], vector<16xi32>,
      %sub3A_1029 = arith.constant 1 : i32
      %sub3A_1030 = vector.broadcast %sub3A_1029 : i32 to vector<16xi32>
      %sub3A_1031 = arith.subi %get3A_1025, %sub3A_1030 : vector<16xi32>
      %mul3A_1032 = arith.constant 5 : i32
      %mul3A_1033 = vector.broadcast %mul3A_1032 : i32 to vector<16xi32>
      %mul3A_1034 = arith.muli %sub3A_1031, %mul3A_1033 : vector<16xi32>
      %add3A_1035 = arith.addi %mul3A_1034, %gather3A_1028 : vector<16xi32>
      %swap3A_1036 = arith.constant 0 : index
      %swap3A_1037 = tpu.vector_load %arg16[%swap3A_1036] {strides = array<i32>} : memref<80xi32, #tpu.memory_space<vmem>>, vector<16xi32>,
      tpu.vector_store %arg16[%swap3A_1036], %add3A_1035 {strides = array<i32>} : memref<80xi32, #tpu.memory_space<vmem>>, vector<16xi32>,
      %get3A_1038 = arith.constant 16 : index
      %get3A_1039 = tpu.vector_load %arg8[%get3A_1038] {strides = array<i32>} : memref<80xi32, #tpu.memory_space<vmem>>, vector<16xi32>,
      %get3A_1040 = arith.constant 16 : index
      %get3A_1041 = tpu.vector_load %arg12[%get3A_1040] {strides = array<i32>} : memref<80xi32, #tpu.memory_space<vmem>>, vector<16xi32>,
      %gather3A_1042 = tpu.vector_load_idx %arg7[%get3A_1041] : memref<32768xi32, #tpu.memory_space<vmem>>[vector<16xi32>], vector<16xi32>,
      %sub3A_1043 = arith.constant 1 : i32
      %sub3A_1044 = vector.broadcast %sub3A_1043 : i32 to vector<16xi32>
      %sub3A_1045 = arith.subi %get3A_1039, %sub3A_1044 : vector<16xi32>
      %mul3A_1046 = arith.constant 5 : i32
      %mul3A_1047 = vector.broadcast %mul3A_1046 : i32 to vector<16xi32>
      %mul3A_1048 = arith.muli %sub3A_1045, %mul3A_1047 : vector<16xi32>
      %add3A_1049 = arith.addi %mul3A_1048, %gather3A_1042 : vector<16xi32>
      %swap3A_1050 = arith.constant 16 : index
      %swap3A_1051 = tpu.vector_load %arg16[%swap3A_1050] {strides = array<i32>} : memref<80xi32, #tpu.memory_space<vmem>>, vector<16xi32>,
      tpu.vector_store %arg16[%swap3A_1050], %add3A_1049 {strides = array<i32>} : memref<80xi32, #tpu.memory_space<vmem>>, vector<16xi32>,
      %get3A_1052 = arith.constant 32 : index
      %get3A_1053 = tpu.vector_load %arg8[%get3A_1052] {strides = array<i32>} : memref<80xi32, #tpu.memory_space<vmem>>, vector<16xi32>,
      %get3A_1054 = arith.constant 32 : index
      %get3A_1055 = tpu.vector_load %arg12[%get3A_1054] {strides = array<i32>} : memref<80xi32, #tpu.memory_space<vmem>>, vector<16xi32>,
      %gather3A_1056 = tpu.vector_load_idx %arg7[%get3A_1055] : memref<32768xi32, #tpu.memory_space<vmem>>[vector<16xi32>], vector<16xi32>,
      %sub3A_1057 = arith.constant 1 : i32
      %sub3A_1058 = vector.broadcast %sub3A_1057 : i32 to vector<16xi32>
      %sub3A_1059 = arith.subi %get3A_1053, %sub3A_1058 : vector<16xi32>
      %mul3A_1060 = arith.constant 5 : i32
      %mul3A_1061 = vector.broadcast %mul3A_1060 : i32 to vector<16xi32>
      %mul3A_1062 = arith.muli %sub3A_1059, %mul3A_1061 : vector<16xi32>
      %add3A_1063 = arith.addi %mul3A_1062, %gather3A_1056 : vector<16xi32>
      %swap3A_1064 = arith.constant 32 : index
      %swap3A_1065 = tpu.vector_load %arg16[%swap3A_1064] {strides = array<i32>} : memref<80xi32, #tpu.memory_space<vmem>>, vector<16xi32>,
      tpu.vector_store %arg16[%swap3A_1064], %add3A_1063 {strides = array<i32>} : memref<80xi32, #tpu.memory_space<vmem>>, vector<16xi32>,
      %get3A_1066 = arith.constant 48 : index
      %get3A_1067 = tpu.vector_load %arg8[%get3A_1066] {strides = array<i32>} : memref<80xi32, #tpu.memory_space<vmem>>, vector<16xi32>,
      %get3A_1068 = arith.constant 48 : index
      %get3A_1069 = tpu.vector_load %arg12[%get3A_1068] {strides = array<i32>} : memref<80xi32, #tpu.memory_space<vmem>>, vector<16xi32>,
      %gather3A_1070 = tpu.vector_load_idx %arg7[%get3A_1069] : memref<32768xi32, #tpu.memory_space<vmem>>[vector<16xi32>], vector<16xi32>,
      %sub3A_1071 = arith.constant 1 : i32
      %sub3A_1072 = vector.broadcast %sub3A_1071 : i32 to vector<16xi32>
      %sub3A_1073 = arith.subi %get3A_1067, %sub3A_1072 : vector<16xi32>
      %mul3A_1074 = arith.constant 5 : i32
      %mul3A_1075 = vector.broadcast %mul3A_1074 : i32 to vector<16xi32>
      %mul3A_1076 = arith.muli %sub3A_1073, %mul3A_1075 : vector<16xi32>
      %add3A_1077 = arith.addi %mul3A_1076, %gather3A_1070 : vector<16xi32>
      %swap3A_1078 = arith.constant 48 : index
      %swap3A_1079 = tpu.vector_load %arg16[%swap3A_1078] {strides = array<i32>} : memref<80xi32, #tpu.memory_space<vmem>>, vector<16xi32>,
      tpu.vector_store %arg16[%swap3A_1078], %add3A_1077 {strides = array<i32>} : memref<80xi32, #tpu.memory_space<vmem>>, vector<16xi32>,
      %get3A_1080 = arith.constant 64 : index
      %get3A_1081 = tpu.vector_load %arg8[%get3A_1080] {strides = array<i32>} : memref<80xi32, #tpu.memory_space<vmem>>, vector<16xi32>,
      %get3A_1082 = arith.constant 64 : index
      %get3A_1083 = tpu.vector_load %arg12[%get3A_1082] {strides = array<i32>} : memref<80xi32, #tpu.memory_space<vmem>>, vector<16xi32>,
      %gather3A_1084 = tpu.vector_load_idx %arg7[%get3A_1083] : memref<32768xi32, #tpu.memory_space<vmem>>[vector<16xi32>], vector<16xi32>,
      %sub3A_1085 = arith.constant 1 : i32
      %sub3A_1086 = vector.broadcast %sub3A_1085 : i32 to vector<16xi32>
      %sub3A_1087 = arith.subi %get3A_1081, %sub3A_1086 : vector<16xi32>
      %mul3A_1088 = arith.constant 5 : i32
      %mul3A_1089 = vector.broadcast %mul3A_1088 : i32 to vector<16xi32>
      %mul3A_1090 = arith.muli %sub3A_1087, %mul3A_1089 : vector<16xi32>
      %add3A_1091 = arith.addi %mul3A_1090, %gather3A_1084 : vector<16xi32>
      %swap3A_1092 = arith.constant 64 : index
      %swap3A_1093 = tpu.vector_load %arg16[%swap3A_1092] {strides = array<i32>} : memref<80xi32, #tpu.memory_space<vmem>>, vector<16xi32>,
      tpu.vector_store %arg16[%swap3A_1092], %add3A_1091 {strides = array<i32>} : memref<80xi32, #tpu.memory_space<vmem>>, vector<16xi32>,
    }
    %scan3A_498 = arith.constant 97 : i32
    %dma_wait3A_499 = arith.constant 0 : i32
    %dma_wait3A_500 = arith.constant 0 : i32
    %dma_wait3A_501 = tpu.memref_slice %arg24[%dma_wait3A_499, %dma_wait3A_500] : memref<500x128xf32, #tpu.memory_space<vmem_shared>> -> memref<500x128xf32, #tpu.memory_space<vmem_shared>>
    tpu.wait_indirect_dma semaphore(%arg27 : memref<!tpu.dma_semaphore, #tpu.memory_space<semaphore_mem>>) src(%dma_wait3A_501 : memref<500x128xf32, #tpu.memory_space<vmem_shared>>) dst(%arg22 : memref<80x128xf32, #tpu.memory_space<vmem>>)
    %add3A_502 = arith.constant 12480 : i32
    %add3A_503 = arith.addi %add3A, %add3A_502 : i32
    %min3A_504 = arith.constant 12499 : i32
    %min3A_505 = arith.minsi %add3A_503, %min3A_504 : i32
    %mul3A_506 = arith.constant 80 : i32
    %mul3A_507 = arith.muli %min3A_505, %mul3A_506 : i32
    %dma_start3A_508 = arith.constant 0 : i32
    %dma_start3A_509 = tpu.memref_slice %arg6[%mul3A_507, %dma_start3A_508] : memref<1000000x128xf32, #tpu.memory_space<hbm>> -> memref<80x128xf32, #tpu.memory_space<hbm>>
    %dma_start3A_510 = arith.constant 0 : i32
    %dma_start3A_511 = tpu.memref_slice %arg6[%mul3A_507, %dma_start3A_510] : memref<1000000x128xf32, #tpu.memory_space<hbm>> -> memref<80x128xf32, #tpu.memory_space<hbm>>
    tpu.enqueue_dma source(%arg22 : memref<80x128xf32, #tpu.memory_space<vmem>>) target(%dma_start3A_511 : memref<80x128xf32, #tpu.memory_space<hbm>>) target_semaphore(%arg31 : memref<!tpu.dma_semaphore, #tpu.memory_space<semaphore_mem>>)
    %dma_wait3A_512 = arith.constant 0 : i32
    %dma_wait3A_513 = arith.constant 0 : i32
    %dma_wait3A_514 = tpu.memref_slice %arg24[%dma_wait3A_512, %dma_wait3A_513] : memref<500x128xf32, #tpu.memory_space<vmem_shared>> -> memref<500x128xf32, #tpu.memory_space<vmem_shared>>
    tpu.wait_indirect_dma semaphore(%arg28 : memref<!tpu.dma_semaphore, #tpu.memory_space<semaphore_mem>>) src(%dma_wait3A_514 : memref<500x128xf32, #tpu.memory_space<vmem_shared>>) dst(%arg23 : memref<80x128xf32, #tpu.memory_space<vmem>>)
    %add3A_515 = arith.constant 12512 : i32
    %add3A_516 = arith.addi %add3A, %add3A_515 : i32
    %min3A_517 = arith.constant 12499 : i32
    %min3A_518 = arith.minsi %add3A_516, %min3A_517 : i32
    %mul3A_519 = arith.constant 80 : i32
    %mul3A_520 = arith.muli %min3A_518, %mul3A_519 : i32
    %dma_start3A_521 = arith.constant 0 : i32
    %dma_start3A_522 = tpu.memref_slice %arg6[%mul3A_520, %dma_start3A_521] : memref<1000000x128xf32, #tpu.memory_space<hbm>> -> memref<80x128xf32, #tpu.memory_space<hbm>>
    %dma_start3A_523 = arith.constant 0 : i32
    %dma_start3A_524 = tpu.memref_slice %arg6[%mul3A_520, %dma_start3A_523] : memref<1000000x128xf32, #tpu.memory_space<hbm>> -> memref<80x128xf32, #tpu.memory_space<hbm>>
    tpu.enqueue_dma source(%arg23 : memref<80x128xf32, #tpu.memory_space<vmem>>) target(%dma_start3A_524 : memref<80x128xf32, #tpu.memory_space<hbm>>) target_semaphore(%arg32 : memref<!tpu.dma_semaphore, #tpu.memory_space<semaphore_mem>>)
    %add3A_525 = arith.constant 12416 : i32
    %add3A_526 = arith.addi %add3A, %add3A_525 : i32
    %min3A_527 = arith.constant 12499 : i32
    %min3A_528 = arith.minsi %add3A_526, %min3A_527 : i32
    %mul3A_529 = arith.constant 80 : i32
    %mul3A_530 = arith.muli %min3A_528, %mul3A_529 : i32
    %dma_wait3A_531 = arith.constant 0 : i32
    %dma_wait3A_532 = tpu.memref_slice %arg6[%mul3A_530, %dma_wait3A_531] : memref<1000000x128xf32, #tpu.memory_space<hbm>> -> memref<80x128xf32, #tpu.memory_space<hbm>>
    %dma_wait3A_533 = arith.constant 0 : i32
    %dma_wait3A_534 = tpu.memref_slice %arg6[%mul3A_530, %dma_wait3A_533] : memref<1000000x128xf32, #tpu.memory_space<hbm>> -> memref<80x128xf32, #tpu.memory_space<hbm>>
    tpu.wait_dma2 semaphore(%arg29 : memref<!tpu.dma_semaphore, #tpu.memory_space<semaphore_mem>>) src(%arg20 : memref<80x128xf32, #tpu.memory_space<vmem>>) dst(%dma_wait3A_534 : memref<80x128xf32, #tpu.memory_space<hbm>>)
    %add3A_535 = arith.constant 12448 : i32
    %add3A_536 = arith.addi %add3A, %add3A_535 : i32
    %min3A_537 = arith.constant 12499 : i32
    %min3A_538 = arith.minsi %add3A_536, %min3A_537 : i32
    %mul3A_539 = arith.constant 80 : i32
    %mul3A_540 = arith.muli %min3A_538, %mul3A_539 : i32
    %dma_wait3A_541 = arith.constant 0 : i32
    %dma_wait3A_542 = tpu.memref_slice %arg6[%mul3A_540, %dma_wait3A_541] : memref<1000000x128xf32, #tpu.memory_space<hbm>> -> memref<80x128xf32, #tpu.memory_space<hbm>>
    %dma_wait3A_543 = arith.constant 0 : i32
    %dma_wait3A_544 = tpu.memref_slice %arg6[%mul3A_540, %dma_wait3A_543] : memref<1000000x128xf32, #tpu.memory_space<hbm>> -> memref<80x128xf32, #tpu.memory_space<hbm>>
    tpu.wait_dma2 semaphore(%arg30 : memref<!tpu.dma_semaphore, #tpu.memory_space<semaphore_mem>>) src(%arg21 : memref<80x128xf32, #tpu.memory_space<vmem>>) dst(%dma_wait3A_544 : memref<80x128xf32, #tpu.memory_space<hbm>>)
    %add3A_545 = arith.constant 12480 : i32
    %add3A_546 = arith.addi %add3A, %add3A_545 : i32
    %min3A_547 = arith.constant 12499 : i32
    %min3A_548 = arith.minsi %add3A_546, %min3A_547 : i32
    %mul3A_549 = arith.constant 80 : i32
    %mul3A_550 = arith.muli %min3A_548, %mul3A_549 : i32
    %dma_wait3A_551 = arith.constant 0 : i32
    %dma_wait3A_552 = tpu.memref_slice %arg6[%mul3A_550, %dma_wait3A_551] : memref<1000000x128xf32, #tpu.memory_space<hbm>> -> memref<80x128xf32, #tpu.memory_space<hbm>>
    %dma_wait3A_553 = arith.constant 0 : i32
    %dma_wait3A_554 = tpu.memref_slice %arg6[%mul3A_550, %dma_wait3A_553] : memref<1000000x128xf32, #tpu.memory_space<hbm>> -> memref<80x128xf32, #tpu.memory_space<hbm>>
    tpu.wait_dma2 semaphore(%arg31 : memref<!tpu.dma_semaphore, #tpu.memory_space<semaphore_mem>>) src(%arg22 : memref<80x128xf32, #tpu.memory_space<vmem>>) dst(%dma_wait3A_554 : memref<80x128xf32, #tpu.memory_space<hbm>>)
    %add3A_555 = arith.constant 12512 : i32
    %add3A_556 = arith.addi %add3A, %add3A_555 : i32
    %min3A_557 = arith.constant 12499 : i32
    %min3A_558 = arith.minsi %add3A_556, %min3A_557 : i32
    %mul3A_559 = arith.constant 80 : i32
    %mul3A_560 = arith.muli %min3A_558, %mul3A_559 : i32
    %dma_wait3A_561 = arith.constant 0 : i32
    %dma_wait3A_562 = tpu.memref_slice %arg6[%mul3A_560, %dma_wait3A_561] : memref<1000000x128xf32, #tpu.memory_space<hbm>> -> memref<80x128xf32, #tpu.memory_space<hbm>>
    %dma_wait3A_563 = arith.constant 0 : i32
    %dma_wait3A_564 = tpu.memref_slice %arg6[%mul3A_560, %dma_wait3A_563] : memref<1000000x128xf32, #tpu.memory_space<hbm>> -> memref<80x128xf32, #tpu.memory_space<hbm>>
    tpu.wait_dma2 semaphore(%arg32 : memref<!tpu.dma_semaphore, #tpu.memory_space<semaphore_mem>>) src(%arg23 : memref<80x128xf32, #tpu.memory_space<vmem>>) dst(%dma_wait3A_564 : memref<80x128xf32, #tpu.memory_space<hbm>>)
    return
  }
}

module attributes {stable_mosaic.version = 14 : i64} {
  func.func @_fuse_body(%arg0: memref<100x128xf32, #tpu.memory_space<vmem>>, %arg1: memref<5x128xf32, #tpu.memory_space<vmem>>, %arg2: memref<100x5x128xf32, #tpu.memory_space<vmem>>) attributes {dimension_semantics = [], scalar_prefetch = 0 : i64, scratch_operands = 0 : i64, tpu.core_type = #tpu.core_type<tc>} {
    %get3A = arith.constant 0 : index
    %get3A_0 = arith.constant 0 : index
    %get3A_1 = vector.load %arg0[%get3A, %get3A_0] : memref<100x128xf32, #tpu.memory_space<vmem>>, vector<100x128xf32>
    %broadcast_in_dim3A = vector.shape_cast %get3A_1 : vector<100x128xf32> to vector<100x1x128xf32>
    %get3A_2 = arith.constant 0 : index
    %get3A_3 = arith.constant 0 : index
    %get3A_4 = vector.load %arg1[%get3A_2, %get3A_3] : memref<5x128xf32, #tpu.memory_space<vmem>>, vector<5x128xf32>
    %broadcast_in_dim3A_5 = vector.shape_cast %get3A_4 : vector<5x128xf32> to vector<1x5x128xf32>
    %add3A = vector.broadcast %broadcast_in_dim3A : vector<100x1x128xf32> to vector<100x5x128xf32>
    %add3A_6 = vector.broadcast %broadcast_in_dim3A_5 : vector<1x5x128xf32> to vector<100x5x128xf32>
    %add3A_7 = arith.addf %add3A, %add3A_6 : vector<100x5x128xf32>
    %swap3A = arith.constant 0 : index
    %swap3A_8 = arith.constant 0 : index
    %swap3A_9 = arith.constant 0 : index
    %swap3A_10 = vector.load %arg2[%swap3A, %swap3A_8, %swap3A_9] : memref<100x5x128xf32, #tpu.memory_space<vmem>>, vector<100x5x128xf32>
    tpu.vector_store %arg2[%swap3A, %swap3A_8, %swap3A_9], %add3A_7 {strides = array<i32>} : memref<100x5x128xf32, #tpu.memory_space<vmem>>, vector<100x5x128xf32>,
    return
  }
}

</mosaic_0001>

<sc_bundles>
// kernel: kernel.4.cloned.1.call-start
scs
__scs_entry_jumppad:
0x0: {  	(pc) =	sbr.rel $0x88, $3  }
0x1: {  	(tag) =	ssettag $0x0;
	lr =	simm.s32 $0x1  }
0x2: {  	[smem:$0x3F9C] =	sst lr;
	_ =	strace $0xD0000000  }
0x3: {  	_ = 	snop  }
0x4: {  	_ = 	snop  }
0x5: {  	_ = 	snop  }
0x6: {  	_ = 	snop  }
0x7: {  	_ = 	snop  }
__scs_overlays_trampoline_lowered:
0x8: {  	[smem:$0x3FAB] =	sst s0  }
0x9: {  	[smem:$0x3FAC] =	sst s1  }
0xa: {  	[smem:$0x3FAD] =	sst s2  }
0xb: {  	[smem:$0x3FAE] =	sst s3  }
0xc: {  	[smem:$0x3FAF] =	sst s4  }
0xd: {  	[smem:$0x3FB0] =	sst s5  }
0xe: {  	[smem:$0x3FB1] =	sst s6  }
0xf: {  	[smem:$0x3FB2] =	sst s7  }
0x10: {  	[smem:$0x3FB3] =	sst s8  }
0x11: {  	[smem:$0x3FB4] =	sst s9;
	s0 =	simm.s32 @!p0 $0x0  }
0x12: {  	s1 =	sld [smem:$0x3F9A];
	s0 =	simm.s32 @p0 $0x1  }
0x13: {  	[smem:$0x3FB5] =	sst s0;
	s0 =	simm.s32 @!p1 $0x0  }
0x14: {  	s2 =	sld [smem:$0x3F99];
	s0 =	simm.s32 @p1 $0x1  }
0x15: {  	[smem:$0x3FB6] =	sst s0;
	s0 =	simm.s32 @!p2 $0x0  }
0x16: {  	s3 =	sld [smem:$0x3FDB];
	s0 =	simm.s32 @p2 $0x1  }
0x17: {  	s4 =	simm.s32 $0x1BF5;
	[smem:$0x3FB8] =	sst s0  }
0x18: {  	s0 =	sld [smem:$0x3F9B];
	_ =	swait.ge [sflag:s4], $0x0  }
0x19: {  	s7 =	sld [smem:$0x3F9C]  }
0x1a: {  	s8 =	sadd.s32 $0xFFFFE003, lr  }
0x1b: {  	s9 =	sadd.s32 $0xFFFFFEF7, lr;
	s5 =	simm.s32 $0xFFFFFFFF;
	p2 =	slt.u32 s8, $0xFFFFF086  }
0x1c: {  	p1 =	slt.u32 s9, $0xF7A;
	s5 =	simm.s32 @!p2 $0x0  }
0x1d: {  	s5 =	simm.s32 @p1 $0x1;
	p0 =	seq.s32 s7, s2  }
0x1e: {  	s7 =	smul.u32 @!p0 $0xF7A, s2;
	p2 =	seq.s32 @!p0 s5, $0x0  }
0x1f: {  	s9 =	smul.u32 $0xF7A, s1;
	s8 =	simm.s32 @!p0 $0x1BF5;
	p2 =	por !p2, p0  }
0x20: {  	[sflag:s8] =	ssyncset.s32 @!p0 $0xFFFFF086;
	s6 =	sadd.s32 @!p0 s3, s7;
	s7 =	simm.s32 @!p0 $0x108  }
0x21: {  	s3 =	sadd.s32 s3, s9;
	s6 =	sadd.s32 @!p0 $0x88, s6;
	s7 =	simm.s32 @p2 $0x1082  }
0x22: {  	[simem:s7], [sflag:s8] =	dma.local @!p0 [hbm:s6], $0xF7A  }
0x23: {  	s9 =	sor.u32 $0xD0000000, s2;
	s6 =	simm.s32 $0x108;
	_ =	swait.ge @!p0 [sflag:s8], $0x0  }
0x24: {  	s3 =	sadd.s32 $0x88, s3;
	s6 =	simm.s32 @!p1 $0x1082;
	[sflag:s4] =	ssyncset.s32 $0xFFFFF086  }
0x25: {  	[simem:s6], [sflag:s4] =	dma.local [hbm:s3], $0xF7A  }
0x26: {  	[smem:$0x3F9C] =	sst s1;
	(tag) =	ssettag s2;
	_ =	strace s9  }
0x27: {  	s1 =	sld [smem:$0x3FAC]  }
0x28: {  	s2 =	sld [smem:$0x3FAD]  }
0x29: {  	s4 =	sld [smem:$0x3FAF]  }
0x2a: {  	p0 =	seq.s32 s5, $0x0;
	s5 =	sld [smem:$0x3FB0]  }
0x2b: {  	s6 =	sld [smem:$0x3FB1]  }
0x2c: {  	s7 =	sld [smem:$0x3FB2]  }
0x2d: {  	s3 =	simm.s32 $0x108;
	s8 =	sld [smem:$0x3FB3]  }
0x2e: {  	s3 =	simm.s32 @!p0 $0x1082;
	s9 =	sld [smem:$0x3FB4]  }
0x2f: {  	lr =	sadd.s32 s0, s3;
	s0 =	sld [smem:$0x3FAB]  }
0x30: {  	s3 =	sld [smem:$0x3FAE]  }
0x31: {  	[smem:$0x3FB7] =	sst s10  }
0x32: {  	s10 =	sld [smem:$0x3FB5];
	_ =	sdelay $0x3  }
0x33: {  	p0 =	seq.s32 s10, $0x1;
	s10 =	sld [smem:$0x3FB7];
	_ =	sdelay $0x3  }
0x34: {  	[smem:$0x3FB7] =	sst s10  }
0x35: {  	s10 =	sld [smem:$0x3FB6];
	_ =	sdelay $0x3  }
0x36: {  	p1 =	seq.s32 s10, $0x1;
	s10 =	sld [smem:$0x3FB7];
	_ =	sdelay $0x3  }
0x37: {  	[smem:$0x3FB7] =	sst s10  }
0x38: {  	s10 =	sld [smem:$0x3FB8]  }
0x39: {  	_ = 	snop;
	(pc) =	sbr.ind lr, $3  }
0x3a: {  	_ = 	snop  }
0x3b: {  	_ = 	snop  }
0x3c: {  	p2 =	seq.s32 s10, $0x1;
	s10 =	sld [smem:$0x3FB7]  }
0x3d: {  	_ =	shalt  }
0x3e: {  	_ =	shalt  }
0x3f: {  	_ =	shalt  }
0x40: {  	_ =	shalt  }
0x41: {  	_ =	shalt  }
0x42: {  	_ =	shalt  }
0x43: {  	_ =	shalt  }
0x44: {  	_ =	shalt  }
0x45: {  	_ =	shalt  }
0x46: {  	_ =	shalt  }
0x47: {  	_ =	shalt  }
0x48: {  	_ =	shalt  }
0x49: {  	_ =	shalt  }
0x4a: {  	_ =	shalt  }
0x4b: {  	_ =	shalt  }
0x4c: {  	_ =	shalt  }
0x4d: {  	_ =	shalt  }
0x4e: {  	_ =	shalt  }
0x4f: {  	_ =	shalt  }
0x50: {  	_ =	shalt  }
0x51: {  	_ =	shalt  }
0x52: {  	_ =	shalt  }
0x53: {  	_ =	shalt  }
0x54: {  	_ =	shalt  }
0x55: {  	_ =	shalt  }
0x56: {  	_ =	shalt  }
0x57: {  	_ =	shalt  }
0x58: {  	_ =	shalt  }
0x59: {  	_ =	shalt  }
0x5a: {  	_ =	shalt  }
0x5b: {  	_ =	shalt  }
0x5c: {  	_ =	shalt  }
0x5d: {  	_ =	shalt  }
0x5e: {  	_ =	shalt  }
0x5f: {  	_ =	shalt  }
0x60: {  	_ =	shalt  }
0x61: {  	_ =	shalt  }
0x62: {  	_ =	shalt  }
0x63: {  	_ =	shalt  }
0x64: {  	_ =	shalt  }
0x65: {  	_ =	shalt  }
0x66: {  	_ =	shalt  }
0x67: {  	_ =	shalt  }
0x68: {  	_ =	shalt  }
0x69: {  	_ =	shalt  }
0x6a: {  	_ =	shalt  }
0x6b: {  	_ =	shalt  }
0x6c: {  	_ =	shalt  }
0x6d: {  	_ =	shalt  }
0x6e: {  	_ =	shalt  }
0x6f: {  	_ =	shalt  }
0x70: {  	_ =	shalt  }
0x71: {  	_ =	shalt  }
0x72: {  	_ =	shalt  }
0x73: {  	_ =	shalt  }
0x74: {  	_ =	shalt  }
0x75: {  	_ =	shalt  }
0x76: {  	_ =	shalt  }
0x77: {  	_ =	shalt  }
0x78: {  	_ =	shalt  }
0x79: {  	_ =	shalt  }
0x7a: {  	_ =	shalt  }
0x7b: {  	_ =	shalt  }
0x7c: {  	_ =	shalt  }
0x7d: {  	_ =	shalt  }
0x7e: {  	_ =	shalt  }
0x7f: {  	_ =	shalt  }
0x80: {  	_ =	shalt  }
0x81: {  	_ =	shalt  }
0x82: {  	_ =	shalt  }
0x83: {  	_ =	shalt  }
0x84: {  	_ =	shalt  }
0x85: {  	_ =	shalt  }
0x86: {  	_ =	shalt  }
0x87: {  	_ =	shalt  }
.Lfunc_end0:
.L_simem_size_0:
called_computation_lowered:
.L_overlay_start_0:
0x88: {  	s2 =	sld [smem:$0x3FD9]  }
0x89: {  	s3 =	sld [smem:$0x3FFE];
	_ =	sdelay $0x1  }
0x8a: {  	s1 =	srdreg.scid  }
0x8b: {  	s0 =	sand.u32 $0x1, s1  }
0x8c: {  	s17 =	sshll.u32 s0, $0xA;
	s2 =	sadd.s32 s3, s2  }
0x8d: {  	s2 =	sadd.s32 s2, s17  }
0x8e: {  	[smem:$0x3FC3] =	sst s2  }
0x8f: {  	_ = 	snop  }
0x90: {  	s2 =	sld [smem:$0x3FC9]  }
0x91: {  	s18 =	sld [smem:$0x3FC8]  }
0x92: {  	s4 =	sld [smem:$0x3FC7]  }
0x93: {  	s5 =	sld [smem:$0x3FD0];
	(tm) =	ssettm $0x1  }
0x94: {  	s6 =	sld [smem:$0x3FFB];
	_ =	sdelay $0x3  }
0x95: {  	_ =	strace s6  }
0x96: {  	s6 =	sld [smem:$0x3FFC];
	_ =	sdelay $0x3  }
0x97: {  	_ =	strace s6  }
0x98: {  	s6 =	sld [smem:$0x3FFD];
	_ =	sdelay $0x3  }
0x99: {  	_ =	strace s6  }
0x9a: {  	_ =	strace $0x8FFFFFFF  }
0x9b: {  	s19 =	sld [smem:$0x3FDB];
	_ =	sdelay $0x1  }
0x9c: {  	s7 =	simm.s32 $_scs_section_size  }
0x9d: {  	s8 =	simm.s32 $_size__tile_overlayer_lowered;
	s9 =	simm.s32 $_tile_overlayer_lowered  }
0x9e: {  	s22 =	simm.s32 $0x1BFF;
	s21 =	sshll.u32 s9, $0x1;
	s6 =	sadd.s32 s7, s19  }
0x9f: {  	s10 =	simm.s32 $0x0;
	s20 =	sshll.u32 s8, $0x1;
	s8 =	sadd.s32 s21, s6  }
0xa0: {  	[timem:s10], [sflag:s22] =	dma.local [hbm:s8], s20  }
0xa1: {  	_ =	swait.ge [sflag:s22], s20  }
0xa2: {  	s7 =	ssub.s32 $0x0, s20;
	[sflag:s22] =	ssyncset.done $0x0  }
0xa3: {  	[sflag:s22] =	ssyncadd.s32 s7;
	_ =	sdelay $0x1  }
0xa4: {  	s23 =	simm.s32 $0x1B8B  }
0xa5: {  	_ =	swait.ge [sflag:s23], $0x1  }
0xa6: {  	[sflag:s23] =	ssyncset.done $0x0  }
0xa7: {  	s25 =	simm.s32 $0x1B8E;
	s24 =	sld [smem:$0x3FFE];
	[sflag:s23] =	ssyncadd.s32 $0xFFFFFFFF  }
0xa8: {  	s26 =	simm.s32 $execute0_lowered;
	[smem:$0x3FD2] =	sst s25  }
0xa9: {  	s8 =	sshll.u32 s26, $0x1;
	_ =	strace $0x80000046;
	[dreg:$0x1] =	wrdreg $0xFFFFFFFF  }
0xaa: {  	s28 =	simm.s32 $_size_execute0_lowered;
	s6 =	sadd.s32 s6, s8;
	[dreg:$0x0] =	wrdreg $0x0  }
0xab: {  	s8 =	sshll.u32 s28, $0x1;
	[dreg:$0x2] =	wrdreg s6  }
0xac: {  	[dreg:$0x3] =	wrdreg s8  }
0xad: {  	[dreg:$0x4] =	wrdreg $0xC0  }
0xae: {  	_ =	task [dreg:s10], $0x5FFFF  }
0xaf: {  	[dreg:$0x1] =	wrdreg $0xFFFFFFFF  }
0xb0: {  	[dreg:$0x0] =	wrdreg $0x60  }
0xb1: {  	[dreg:$0x2] =	wrdreg s2  }
0xb2: {  	[dreg:$0x3] =	wrdreg s4  }
0xb3: {  	[dreg:$0x4] =	wrdreg s18  }
0xb4: {  	[dreg:$0x5] =	wrdreg s24  }
0xb5: {  	[dreg:$0x6] =	wrdreg s5  }
0xb6: {  	[dreg:$0x7] =	wrdreg $0x126000  }
0xb7: {  	[dreg:$0x8] =	wrdreg $0x9  }
0xb8: {  	_ =	task.clear_ibuf [dreg:s10], $0x9FFFF;
	_ =	strace $0x90000046  }
0xb9: {  	s29 =	simm.s32 $0x9;
	_ =	strace $0x80000048  }
0xba: {  	_ =	swait.ge [sflag:s29], $0x1  }
0xbb: {  	[sflag:s29] =	ssyncadd.s32 $0xFFFFFFFF  }
0xbc: {  	_ =	strace $0x90000048  }
0xbd: {  	_ =	sfence  }
0xbe: {  	s30 =	sld [smem:$0x0];
	_ =	sdelay $0x2  }
0xbf: {  	s31 =	sshll.u32 s1, $0xD;
	s1 =	sshrl.u32 s1, $0x2  }
0xc0: {  	s3 =	sand.u32 $0x4000, s31;
	s1 =	sadd.s32 s1, s30  }
0xc1: {  	s0 =	sor.u32 s3, s0;
	s1 =	sshll.u32 s1, $0x11  }
0xc2: {  	s0 =	sor.u32 s1, s0  }
0xc3: {  	s0 =	sadd.s32 $0x8F2B, s0  }
0xc4: {  	[sflag:s0] =	ssyncadd.remote.s32 $0x1  }
0xc5: {  	_ =	sfence.sel $0xFFFF  }
0xc6: {  	[dreg:$0x0] =	wrdreg $0xFFFFFFFF;
	(pc) =	sbr.abs _section_cstart, $3  }
0xc7: {  	[dreg:$0x1] =	wrdreg $0xFFFFFFFF  }
0xc8: {  	_ =	task.clear_ibuf [dreg:s10], $0x2FFFF;
	_ =	strace $0x9FFFFFFF  }
0xc9: {  	(tm) =	ssettm $0x7FFFFFFF  }
tec
execute0_lowered:
.L_overlay_start_1:
0x0: {  	(tag) =	ssettag $0x1  }
0x1: {  	s0 =	rddreg [dreg:$0x0]  }
0x2: {  	s2 =	rddreg [dreg:$0x1]  }
0x3: {  	s1 =	rddreg [dreg:$0x3]  }
0x4: {  	s3 =	rddreg [dreg:$0x4]  }
0x5: {  	s4 =	rddreg [dreg:$0x5]  }
0x6: {  	s6 =	srdreg.scid;
	s7 =	stileid.u32;
	s5 =	simm.s32 $0x0  }
0x7: {  	s31 =	simm.s32 $0x9;
	s28 =	simm.s32 $0x8100;
	s29 =	simm.s32 $0xD600  }
0x8: {  	s30 =	simm.s32 $0x4;
	s6 =	sand.u32 $0x1, s6;
	s8 =	sshll.u32 s7, $0x1  }
0x9: {  	[smem:$0x7FF] =	sst s5;
	s1 =	sadd.s32 $0x800, s1;
	s25 =	smul.u32 $0xA00, s7  }
0xa: {  	p0 =	sne.s32 s7, $0x0;
	s7 =	simm.s32 $0x8;
	s8 =	sor.u32 s6, s8  }
0xb: {  	_ =	strace $0x80000047;
	s9 =	ssub.s32 $0x2, s6;
	s6 =	smul.u32 $0x500, s6  }
0xc: {  	[dreg:$0x8] =	wrdreg s1;
	s10 =	smul.u32 $0xA, s8;
	s11 =	sshrl.u32 s9, $0x1  }
0xd: {  	s12 =	sor.u32 $0x20, s8;
	s13 =	smul.u32 $0x50, s8;
	s16 =	sadd.s32 s25, s3  }
0xe: {  	s17 =	smul.u32 $0x500, s8;
	s1 =	ssub.s32 s9, s11;
	s6 =	sadd.s32 s6, s16  }
0xf: {  	s19 =	smul.u32 $0xA, s12;
	s20 =	sadd.s32 s0, s10;
	[dreg:$0x7] =	wrdreg s6  }
0x10: {  	s11 =	simm.s32 $0x8600;
	s10 =	sadd.s32 s2, s10;
	[dreg:$0x9] =	wrdreg s20  }
0x11: {  	s16 =	simm.s32 $0xAE00;
	s1 =	smax.u32 s1, $0x1;
	[dreg:$0xa] =	wrdreg s10  }
0x12: {  	s10 =	sshrl.u32 s13, $0x3;
	s21 =	sadd.s32 s0, s19;
	s9 =	sadd.s32 s2, s19  }
0x13: {  	s20 =	sadd.s32 s3, s17;
	[dreg:$0x19] =	wrdreg s1;
	s13 =	simm.s32 $0x8000  }
0x14: {  	s1 =	simm.s32 $0x50;
	s17 =	simm.s32 $0x1;
	[dreg:$0xb] =	wrdreg s21  }
0x15: {  	[dreg:$0xc] =	wrdreg s9;
	s22 =	sadd.s32 $0x280, s10;
	s24 =	sadd.s32 $0x3C0, s10  }
0x16: {  	s15 =	sadd.s32 $0x500, s10;
	[dreg:$0x13] =	wrdreg s20;
	s23 =	sadd.s32 s0, s22  }
0x17: {  	s10 =	sadd.s32 $0x640, s10;
	s9 =	sadd.s32 s2, s22;
	[dreg:$0xd] =	wrdreg s23  }
0x18: {  	s21 =	smul.u32 $0x500, s12;
	s26 =	sadd.s32 s0, s24;
	[dreg:$0xe] =	wrdreg s9  }
0x19: {  	s12 =	simm.s32 $0x8080;
	s14 =	sadd.s32 s2, s24;
	[dreg:$0xf] =	wrdreg s26  }
0x1a: {  	s20 =	simm.s32 $0x8480;
	s18 =	sadd.s32 s0, s15;
	[dreg:$0x10] =	wrdreg s14  }
0x1b: {  	s22 =	sadd.s32 s0, s10;
	s24 =	sadd.s32 s2, s10;
	[dreg:$0x11] =	wrdreg s18  }
0x1c: {  	s10 =	simm.s32 $0x0;
	s14 =	smin.u32 s8, $0x13;
	[dreg:$0x14] =	wrdreg s22  }
0x1d: {  	s9 =	sadd.s32 s2, s15;
	[dreg:$0x15] =	wrdreg s24;
	s25 =	sadd.s32 s3, s21  }
0x1e: {  	s26 =	sor.u32 $0xC0, s8;
	s18 =	simm.s32 $0xC;
	s15 =	simm.s32 $0xFE00  }
0x1f: {  	s21 =	simm.s32 $0x2;
	s22 =	simm.s32 $0x5;
	[dreg:$0x12] =	wrdreg s9  }
0x20: {  	s24 =	simm.s32 $0x6;
	s19 =	smul.u32 $0x2800, s14;
	[dreg:$0x16] =	wrdreg s25  }
0x21: {  	[dreg:$0x1a] =	wrdreg s26;
	s26 =	simm.s32 $0x8200;
	s25 =	simm.s32 $0x8400  }
0x22: {  	s9 =	simm.s32 $0xA;
	s14 =	simm.s32 $0xB;
	s23 =	sshrl.u32 s19, $0x3  }
0x23: {  	s19 =	simm.s32 $0x8180;
	s6 =	sadd.s32 s3, s23;
	s3 =	sadd.s32 $0xF41F00, s3  }
0x24: {  	s23 =	simm.s32 $0x3;
	s6 =	sadd.s32 $0xF3C000, s6;
	[dreg:$0x18] =	wrdreg s3  }
0x25: {  	s3 =	simm.s32 $0x7;
	[dreg:$0x17] =	wrdreg s6;
	s6 =	simm.s32 $0x8300  }
.LBB2_1:
0x26: {  	[dreg:$0x1b] =	wrdreg s10  }
0x27: {  	s8 =	rddreg [dreg:$0x9]  }
0x28: {  	[tilespmem:s13], [sflag:$0x9] =	stream.linear.gather [hbm4b:s8+s5], $0x50, $0x38;
	[tilespmem:$0x135A0] =	vst v63  }
0x29: {  	s8 =	rddreg [dreg:$0xa]  }
0x2a: {  	[tilespmem:s26], [sflag:$0x9] =	stream.linear.gather [hbm4b:s8+s5], $0x50, $0x38;
	[tilespmem:$0x135A0] =	vst v63  }
0x2b: {  	s8 =	rddreg [dreg:$0xb]  }
0x2c: {  	[tilespmem:s12], [sflag:$0xA] =	stream.linear.gather [hbm4b:s8+s5], $0x50, $0x38;
	[tilespmem:$0x135A0] =	vst v63  }
0x2d: {  	s10 =	simm.s32 $0x8280;
	s12 =	rddreg [dreg:$0xc]  }
0x2e: {  	[tilespmem:s10], [sflag:$0xA] =	stream.linear.gather [hbm4b:s12+s5], $0x50, $0x38;
	[tilespmem:$0x135A0] =	vst v63  }
0x2f: {  	s8 =	sshrl.u32 @!p0 s4, $0x3;
	s10 =	simm.s32 @!p0 $0x1C0D;
	s12 =	rddreg [dreg:$0x8]  }
0x30: {  	[spmem:s8], [sflag:s10] =	dma.local @!p0 [hbm:s12], $0x1F40  }
0x31: {  	s8 =	simm.s32 @!p0 $0xD  }
0x32: {  	_ =	swait.ge @!p0 [sflag:s8], $0x1F40  }
0x33: {  	[sflag:s8] =	ssyncset.done @!p0 $0x0  }
0x34: {  	[sflag:s8] =	ssyncadd.s32 @!p0 $0xFFFFE0C0  }
0x35: {  	s12 =	simm.s32 $0xD;
	s8 =	rddreg [dreg:$0x2]  }
0x36: {  	[tilespmem:s5], [sflag:$0xD] =	stream.linear.gather [hbm4b:s8+s5], $0x8000, $0x38;
	[tilespmem:$0x135A0] =	vst v63  }
0x37: {  	_ =	swait.ge [sflag:s12], $0x8000  }
0x38: {  	[sflag:s12] =	ssyncset.done $0x0  }
0x39: {  	[sflag:s12] =	ssyncadd.s32 $0xFFFF8000  }
0x3a: {  	_ =	swait.ge [sflag:s31], $0x50  }
0x3b: {  	[sflag:s31] =	ssyncset.done $0x0  }
0x3c: {  	[sflag:s31] =	ssyncadd.s32 $0xFFFFFFB0  }
0x3d: {  	_ =	swait.ge [sflag:s31], $0x50  }
0x3e: {  	[sflag:s31] =	ssyncset.done $0x0  }
0x3f: {  	[sflag:s31] =	ssyncadd.s32 $0xFFFFFFB0  }
0x40: {  	v0 =	vld [tilespmem:$0x8200];
	_ =	sdelay $0x5  }
0x41: {  	v1 =	vld [tilespmem:$0x8000]  }
0x42: {  	v2 =	vld [tilespmem:$0x8210]  }
0x43: {  	v0 =	vld.idx.msk [tilespmem:v0+s5+$0x0], $0xffff;
	_ =	sdelay $0x2  }
0x44: {  	v1 =	vmul.u32 $0x5, v1;
	_ =	sdelay $0x1  }
0x45: {  	v0 =	vadd.s32 v0, v1  }
0x46: {  	v62 =	vld [tilespmem:$0x8010];
	v0 =	vadd.s32 $0xFFFFFFFB, v0  }
0x47: {  	v4 =	vld [tilespmem:$0x8220];
	[tilespmem:$0x8400] =	vst v0  }
0x48: {  	v63 =	vld.idx.msk [tilespmem:v2+s5+$0x0], $0xffff;
	_ =	sdelay $0x2  }
0x49: {  	v0 =	vmul.u32 $0x5, v62;
	_ =	sdelay $0x1  }
0x4a: {  	v0 =	vadd.s32 v63, v0  }
0x4b: {  	v5 =	vld [tilespmem:$0x8020];
	v0 =	vadd.s32 $0xFFFFFFFB, v0  }
0x4c: {  	v7 =	vld [tilespmem:$0x8230];
	[tilespmem:$0x8410] =	vst v0  }
0x4d: {  	v6 =	vld.idx.msk [tilespmem:v4+s5+$0x0], $0xffff;
	_ =	sdelay $0x2  }
0x4e: {  	v0 =	vmul.u32 $0x5, v5;
	_ =	sdelay $0x1  }
0x4f: {  	v0 =	vadd.s32 v6, v0  }
0x50: {  	v8 =	vld [tilespmem:$0x8030];
	v0 =	vadd.s32 $0xFFFFFFFB, v0  }
0x51: {  	v10 =	vld [tilespmem:$0x8240];
	[tilespmem:$0x8420] =	vst v0  }
0x52: {  	v9 =	vld.idx.msk [tilespmem:v7+s5+$0x0], $0xffff;
	_ =	sdelay $0x2  }
0x53: {  	v0 =	vmul.u32 $0x5, v8;
	_ =	sdelay $0x1  }
0x54: {  	v0 =	vadd.s32 v9, v0  }
0x55: {  	v11 =	vld [tilespmem:$0x8040];
	v0 =	vadd.s32 $0xFFFFFFFB, v0  }
0x56: {  	[tilespmem:$0x8430] =	vst v0  }
0x57: {  	v0 =	vld.idx.msk [tilespmem:v10+s5+$0x0], $0xffff;
	_ =	sdelay $0x2  }
0x58: {  	v1 =	vmul.u32 $0x5, v11;
	_ =	sdelay $0x1  }
0x59: {  	v0 =	vadd.s32 v0, v1  }
0x5a: {  	v0 =	vadd.s32 $0xFFFFFFFB, v0  }
0x5b: {  	[tilespmem:$0x8440] =	vst v0  }
0x5c: {  	[bflag:$0x0] =	sbarrier.arrive $0xFFFF  }
0x5d: {  	[tilespmem:s11], [sflag:$0x1] =	stream.indirect.gather [spmem:s4], $0x80, s25, s1, $0xb8;
	[tilespmem:$0x135A0] =	vst v63  }
0x5e: {  	s10 =	rddreg [dreg:$0xd]  }
0x5f: {  	[tilespmem:s28], [sflag:$0xB] =	stream.linear.gather [hbm4b:s10+s5], $0x50, $0x38;
	[tilespmem:$0x135A0] =	vst v63  }
0x60: {  	s12 =	rddreg [dreg:$0xe]  }
0x61: {  	[tilespmem:s6], [sflag:$0xB] =	stream.linear.gather [hbm4b:s12+s5], $0x50, $0x38;
	[tilespmem:$0x135A0] =	vst v63  }
0x62: {  	_ =	swait.ge [sflag:s9], $0x50  }
0x63: {  	[sflag:s9] =	ssyncset.done $0x0  }
0x64: {  	[sflag:s9] =	ssyncadd.s32 $0xFFFFFFB0  }
0x65: {  	_ =	swait.ge [sflag:s9], $0x50  }
0x66: {  	[sflag:s9] =	ssyncset.done $0x0  }
0x67: {  	[sflag:s9] =	ssyncadd.s32 $0xFFFFFFB0  }
0x68: {  	v12 =	vld [tilespmem:$0x8280];
	_ =	sdelay $0x5  }
0x69: {  	v13 =	vld [tilespmem:$0x8080]  }
0x6a: {  	v14 =	vld [tilespmem:$0x8290]  }
0x6b: {  	v0 =	vld.idx.msk [tilespmem:v12+s5+$0x0], $0xffff;
	_ =	sdelay $0x2  }
0x6c: {  	v1 =	vmul.u32 $0x5, v13;
	_ =	sdelay $0x1  }
0x6d: {  	v0 =	vadd.s32 v0, v1  }
0x6e: {  	v15 =	vld [tilespmem:$0x8090];
	v0 =	vadd.s32 $0xFFFFFFFB, v0  }
0x6f: {  	v17 =	vld [tilespmem:$0x82A0];
	[tilespmem:$0x8480] =	vst v0  }
0x70: {  	v16 =	vld.idx.msk [tilespmem:v14+s5+$0x0], $0xffff;
	_ =	sdelay $0x2  }
0x71: {  	v0 =	vmul.u32 $0x5, v15;
	_ =	sdelay $0x1  }
0x72: {  	v0 =	vadd.s32 v16, v0  }
0x73: {  	v18 =	vld [tilespmem:$0x80A0];
	v0 =	vadd.s32 $0xFFFFFFFB, v0  }
0x74: {  	v20 =	vld [tilespmem:$0x82B0];
	[tilespmem:$0x8490] =	vst v0  }
0x75: {  	v19 =	vld.idx.msk [tilespmem:v17+s5+$0x0], $0xffff;
	_ =	sdelay $0x2  }
0x76: {  	v0 =	vmul.u32 $0x5, v18;
	_ =	sdelay $0x1  }
0x77: {  	v0 =	vadd.s32 v19, v0  }
0x78: {  	v21 =	vld [tilespmem:$0x80B0];
	v0 =	vadd.s32 $0xFFFFFFFB, v0  }
0x79: {  	v23 =	vld [tilespmem:$0x82C0];
	[tilespmem:$0x84A0] =	vst v0  }
0x7a: {  	v22 =	vld.idx.msk [tilespmem:v20+s5+$0x0], $0xffff;
	_ =	sdelay $0x2  }
0x7b: {  	v0 =	vmul.u32 $0x5, v21;
	_ =	sdelay $0x1  }
0x7c: {  	v0 =	vadd.s32 v22, v0  }
0x7d: {  	v24 =	vld [tilespmem:$0x80C0];
	v0 =	vadd.s32 $0xFFFFFFFB, v0  }
0x7e: {  	[tilespmem:$0x84B0] =	vst v0  }
0x7f: {  	v0 =	vld.idx.msk [tilespmem:v23+s5+$0x0], $0xffff;
	_ =	sdelay $0x2  }
0x80: {  	v1 =	vmul.u32 $0x5, v24;
	_ =	sdelay $0x1  }
0x81: {  	v0 =	vadd.s32 v0, v1  }
0x82: {  	v0 =	vadd.s32 $0xFFFFFFFB, v0  }
0x83: {  	[tilespmem:$0x84C0] =	vst v0  }
0x84: {  	[tilespmem:s16], [sflag:$0x2] =	stream.indirect.gather [spmem:s4], $0x80, s20, s1, $0xb8;
	[tilespmem:$0x135A0] =	vst v63  }
0x85: {  	s10 =	rddreg [dreg:$0xf]  }
0x86: {  	[tilespmem:s19], [sflag:$0xC] =	stream.linear.gather [hbm4b:s10+s5], $0x50, $0x38;
	[tilespmem:$0x135A0] =	vst v63  }
0x87: {  	s12 =	rddreg [dreg:$0x10];
	s19 =	simm.s32 $0x8380  }
0x88: {  	[tilespmem:s19], [sflag:$0xC] =	stream.linear.gather [hbm4b:s12+s5], $0x50, $0x38;
	[tilespmem:$0x135A0] =	vst v63  }
0x89: {  	_ =	swait.ge [sflag:s14], $0x50  }
0x8a: {  	[sflag:s14] =	ssyncset.done $0x0  }
0x8b: {  	[sflag:s14] =	ssyncadd.s32 $0xFFFFFFB0  }
0x8c: {  	_ =	swait.ge [sflag:s14], $0x50  }
0x8d: {  	[sflag:s14] =	ssyncset.done $0x0  }
0x8e: {  	[sflag:s14] =	ssyncadd.s32 $0xFFFFFFB0  }
0x8f: {  	v25 =	vld [tilespmem:$0x8300];
	_ =	sdelay $0x5  }
0x90: {  	v26 =	vld [tilespmem:$0x8100]  }
0x91: {  	v27 =	vld [tilespmem:$0x8310]  }
0x92: {  	v0 =	vld.idx.msk [tilespmem:v25+s5+$0x0], $0xffff;
	_ =	sdelay $0x2  }
0x93: {  	v1 =	vmul.u32 $0x5, v26;
	_ =	sdelay $0x1  }
0x94: {  	v0 =	vadd.s32 v0, v1  }
0x95: {  	v28 =	vld [tilespmem:$0x8110];
	v0 =	vadd.s32 $0xFFFFFFFB, v0  }
0x96: {  	v30 =	vld [tilespmem:$0x8320];
	[tilespmem:$0x8500] =	vst v0  }
0x97: {  	v29 =	vld.idx.msk [tilespmem:v27+s5+$0x0], $0xffff;
	_ =	sdelay $0x2  }
0x98: {  	v0 =	vmul.u32 $0x5, v28;
	_ =	sdelay $0x1  }
0x99: {  	v0 =	vadd.s32 v29, v0  }
0x9a: {  	v31 =	vld [tilespmem:$0x8120];
	v0 =	vadd.s32 $0xFFFFFFFB, v0  }
0x9b: {  	v33 =	vld [tilespmem:$0x8330];
	[tilespmem:$0x8510] =	vst v0  }
0x9c: {  	v32 =	vld.idx.msk [tilespmem:v30+s5+$0x0], $0xffff;
	_ =	sdelay $0x2  }
0x9d: {  	v0 =	vmul.u32 $0x5, v31;
	_ =	sdelay $0x1  }
0x9e: {  	v0 =	vadd.s32 v32, v0  }
0x9f: {  	v34 =	vld [tilespmem:$0x8130];
	v0 =	vadd.s32 $0xFFFFFFFB, v0  }
0xa0: {  	v36 =	vld [tilespmem:$0x8340];
	[tilespmem:$0x8520] =	vst v0  }
0xa1: {  	v35 =	vld.idx.msk [tilespmem:v33+s5+$0x0], $0xffff;
	_ =	sdelay $0x2  }
0xa2: {  	v0 =	vmul.u32 $0x5, v34;
	_ =	sdelay $0x1  }
0xa3: {  	v0 =	vadd.s32 v35, v0  }
0xa4: {  	v37 =	vld [tilespmem:$0x8140];
	v0 =	vadd.s32 $0xFFFFFFFB, v0  }
0xa5: {  	[tilespmem:$0x8530] =	vst v0  }
0xa6: {  	v0 =	vld.idx.msk [tilespmem:v36+s5+$0x0], $0xffff;
	_ =	sdelay $0x2  }
0xa7: {  	v1 =	vmul.u32 $0x5, v37;
	_ =	sdelay $0x1  }
0xa8: {  	v0 =	vadd.s32 v0, v1  }
0xa9: {  	v0 =	vadd.s32 $0xFFFFFFFB, v0  }
0xaa: {  	s20 =	simm.s32 $0x8500;
	[tilespmem:$0x8540] =	vst v0  }
0xab: {  	[tilespmem:s29], [sflag:$0x3] =	stream.indirect.gather [spmem:s4], $0x80, s20, s1, $0xb8;
	[tilespmem:$0x135A0] =	vst v63  }
0xac: {  	s6 =	rddreg [dreg:$0x11]  }
0xad: {  	[tilespmem:s13], [sflag:$0x9] =	stream.linear.gather [hbm4b:s6+s5], $0x50, $0x38;
	[tilespmem:$0x135A0] =	vst v63  }
0xae: {  	s10 =	rddreg [dreg:$0x12]  }
0xaf: {  	[tilespmem:s26], [sflag:$0x9] =	stream.linear.gather [hbm4b:s10+s5], $0x50, $0x38;
	[tilespmem:$0x135A0] =	vst v63  }
0xb0: {  	_ =	swait.ge [sflag:s17], $0x2800  }
0xb1: {  	[sflag:s17] =	ssyncset.done $0x0  }
0xb2: {  	s12 =	rddreg [dreg:$0x13];
	[sflag:s17] =	ssyncadd.s32 $0xFFFFD800  }
0xb3: {  	[hbm4b:s12+s5] =	stream.linear.scatter [tilespmem:s11], [sflag:$0x5], $0x2800, $0x38;
	[tilespmem:$0x135A0] =	vst v63  }
0xb4: {  	_ =	swait.ge [sflag:s18], $0x50  }
0xb5: {  	[sflag:s18] =	ssyncset.done $0x0  }
0xb6: {  	[sflag:s18] =	ssyncadd.s32 $0xFFFFFFB0  }
0xb7: {  	_ =	swait.ge [sflag:s18], $0x50  }
0xb8: {  	[sflag:s18] =	ssyncset.done $0x0  }
0xb9: {  	[sflag:s18] =	ssyncadd.s32 $0xFFFFFFB0  }
0xba: {  	v38 =	vld [tilespmem:$0x8380];
	_ =	sdelay $0x5  }
0xbb: {  	v39 =	vld [tilespmem:$0x8180]  }
0xbc: {  	v40 =	vld [tilespmem:$0x8390]  }
0xbd: {  	v0 =	vld.idx.msk [tilespmem:v38+s5+$0x0], $0xffff;
	_ =	sdelay $0x2  }
0xbe: {  	v1 =	vmul.u32 $0x5, v39;
	_ =	sdelay $0x1  }
0xbf: {  	v0 =	vadd.s32 v0, v1  }
0xc0: {  	v41 =	vld [tilespmem:$0x8190];
	v0 =	vadd.s32 $0xFFFFFFFB, v0  }
0xc1: {  	v43 =	vld [tilespmem:$0x83A0];
	[tilespmem:$0x8580] =	vst v0  }
0xc2: {  	v42 =	vld.idx.msk [tilespmem:v40+s5+$0x0], $0xffff;
	_ =	sdelay $0x2  }
0xc3: {  	v0 =	vmul.u32 $0x5, v41;
	_ =	sdelay $0x1  }
0xc4: {  	v0 =	vadd.s32 v42, v0  }
0xc5: {  	v44 =	vld [tilespmem:$0x81A0];
	v0 =	vadd.s32 $0xFFFFFFFB, v0  }
0xc6: {  	v46 =	vld [tilespmem:$0x83B0];
	[tilespmem:$0x8590] =	vst v0  }
0xc7: {  	v45 =	vld.idx.msk [tilespmem:v43+s5+$0x0], $0xffff;
	_ =	sdelay $0x2  }
0xc8: {  	v0 =	vmul.u32 $0x5, v44;
	_ =	sdelay $0x1  }
0xc9: {  	v0 =	vadd.s32 v45, v0  }
0xca: {  	v47 =	vld [tilespmem:$0x81B0];
	v0 =	vadd.s32 $0xFFFFFFFB, v0  }
0xcb: {  	v49 =	vld [tilespmem:$0x83C0];
	[tilespmem:$0x85A0] =	vst v0  }
0xcc: {  	v48 =	vld.idx.msk [tilespmem:v46+s5+$0x0], $0xffff;
	_ =	sdelay $0x2  }
0xcd: {  	v0 =	vmul.u32 $0x5, v47;
	_ =	sdelay $0x1  }
0xce: {  	v0 =	vadd.s32 v48, v0  }
0xcf: {  	v50 =	vld [tilespmem:$0x81C0];
	v0 =	vadd.s32 $0xFFFFFFFB, v0  }
0xd0: {  	[tilespmem:$0x85B0] =	vst v0  }
0xd1: {  	v0 =	vld.idx.msk [tilespmem:v49+s5+$0x0], $0xffff;
	_ =	sdelay $0x2  }
0xd2: {  	v1 =	vmul.u32 $0x5, v50;
	_ =	sdelay $0x1  }
0xd3: {  	v0 =	vadd.s32 v0, v1  }
0xd4: {  	v0 =	vadd.s32 $0xFFFFFFFB, v0  }
0xd5: {  	s13 =	simm.s32 $0x8580;
	[tilespmem:$0x85C0] =	vst v0  }
0xd6: {  	[tilespmem:s15], [sflag:$0x4] =	stream.indirect.gather [spmem:s4], $0x80, s13, s1, $0xb8;
	[tilespmem:$0x135A0] =	vst v63  }
0xd7: {  	s19 =	simm.s32 $0x8080;
	s15 =	rddreg [dreg:$0x14]  }
0xd8: {  	[tilespmem:s19], [sflag:$0xA] =	stream.linear.gather [hbm4b:s15+s5], $0x50, $0x38;
	[tilespmem:$0x135A0] =	vst v63  }
0xd9: {  	s26 =	simm.s32 $0x8280;
	s20 =	rddreg [dreg:$0x15]  }
0xda: {  	[tilespmem:s26], [sflag:$0xA] =	stream.linear.gather [hbm4b:s20+s5], $0x50, $0x38;
	[tilespmem:$0x135A0] =	vst v63  }
0xdb: {  	_ =	swait.ge [sflag:s21], $0x2800  }
0xdc: {  	[sflag:s21] =	ssyncset.done $0x0  }
0xdd: {  	s29 =	rddreg [dreg:$0x16];
	[sflag:s21] =	ssyncadd.s32 $0xFFFFD800  }
0xde: {  	[hbm4b:s29+s5] =	stream.linear.scatter [tilespmem:s16], [sflag:$0x6], $0x2800, $0x38;
	[tilespmem:$0x135A0] =	vst v63  }
0xdf: {  	_ =	swait.ge [sflag:s31], $0x50  }
0xe0: {  	[sflag:s31] =	ssyncset.done $0x0  }
0xe1: {  	[sflag:s31] =	ssyncadd.s32 $0xFFFFFFB0  }
0xe2: {  	_ =	swait.ge [sflag:s31], $0x50  }
0xe3: {  	[sflag:s31] =	ssyncset.done $0x0  }
0xe4: {  	[sflag:s31] =	ssyncadd.s32 $0xFFFFFFB0  }
0xe5: {  	v51 =	vld [tilespmem:$0x8200];
	_ =	sdelay $0x5  }
0xe6: {  	v52 =	vld [tilespmem:$0x8000]  }
0xe7: {  	v53 =	vld [tilespmem:$0x8210]  }
0xe8: {  	v0 =	vld.idx.msk [tilespmem:v51+s5+$0x0], $0xffff;
	_ =	sdelay $0x2  }
0xe9: {  	v1 =	vmul.u32 $0x5, v52;
	_ =	sdelay $0x1  }
0xea: {  	v0 =	vadd.s32 v0, v1  }
0xeb: {  	v54 =	vld [tilespmem:$0x8010];
	v0 =	vadd.s32 $0xFFFFFFFB, v0  }
0xec: {  	v56 =	vld [tilespmem:$0x8220];
	[tilespmem:$0x8400] =	vst v0  }
0xed: {  	v55 =	vld.idx.msk [tilespmem:v53+s5+$0x0], $0xffff;
	_ =	sdelay $0x2  }
0xee: {  	v0 =	vmul.u32 $0x5, v54;
	_ =	sdelay $0x1  }
0xef: {  	v0 =	vadd.s32 v55, v0  }
0xf0: {  	v57 =	vld [tilespmem:$0x8020];
	v0 =	vadd.s32 $0xFFFFFFFB, v0  }
0xf1: {  	v59 =	vld [tilespmem:$0x8230];
	[tilespmem:$0x8410] =	vst v0  }
0xf2: {  	v58 =	vld.idx.msk [tilespmem:v56+s5+$0x0], $0xffff;
	_ =	sdelay $0x2  }
0xf3: {  	v0 =	vmul.u32 $0x5, v57;
	_ =	sdelay $0x1  }
0xf4: {  	v0 =	vadd.s32 v58, v0  }
0xf5: {  	v60 =	vld [tilespmem:$0x8030];
	v0 =	vadd.s32 $0xFFFFFFFB, v0  }
0xf6: {  	v62 =	vld [tilespmem:$0x8240];
	[tilespmem:$0x8420] =	vst v0  }
0xf7: {  	v61 =	vld.idx.msk [tilespmem:v59+s5+$0x0], $0xffff;
	_ =	sdelay $0x2  }
0xf8: {  	v0 =	vmul.u32 $0x5, v60;
	_ =	sdelay $0x1  }
0xf9: {  	v0 =	vadd.s32 v61, v0  }
0xfa: {  	v63 =	vld [tilespmem:$0x8040];
	v0 =	vadd.s32 $0xFFFFFFFB, v0  }
0xfb: {  	[tilespmem:$0x8430] =	vst v0  }
0xfc: {  	v0 =	vld.idx.msk [tilespmem:v62+s5+$0x0], $0xffff;
	_ =	sdelay $0x2  }
0xfd: {  	v1 =	vmul.u32 $0x5, v63;
	_ =	sdelay $0x1  }
0xfe: {  	s28 =	simm.s32 $0x8200;
	s6 =	simm.s32 $0x8300;
	v0 =	vadd.s32 v0, v1  }
0xff: {  	s10 =	simm.s32 $0x0;
	s11 =	simm.s32 $0x8600;
	s20 =	simm.s32 $0x8480;
	v0 =	vadd.s32 $0xFFFFFFFB, v0  }
0x100: {  	s26 =	simm.s32 $0x8180;
	s16 =	simm.s32 $0xAE00;
	s8 =	rddreg [dreg:$0x1a];
	[tilespmem:$0x8440] =	vst v0  }
.LBB2_2:
0x101: {  	_ =	swait.ge [sflag:s22], $0x2800;
	p1 =	slt.s32 s8, $0x30D3;
	s12 =	smov.u32 s8  }
0x102: {  	[sflag:s22] =	ssyncset.done $0x0;
	s12 =	simm.s32 @!p1 $0x30D3  }
0x103: {  	[sflag:s22] =	ssyncadd.s32 $0xFFFFD800;
	s12 =	smul.u32 $0xA, s12  }
0x104: {  	[tilespmem:s11], [sflag:$0x1] =	stream.indirect.gather [spmem:s4], $0x80, s25, s1, $0xb8;
	[tilespmem:$0x135A0] =	vst v63  }
0x105: {  	s15 =	simm.s32 $0x8100;
	s13 =	sadd.s32 s0, s12  }
0x106: {  	[tilespmem:s15], [sflag:$0xB] =	stream.linear.gather [hbm4b:s13+s5], $0x50, $0x38;
	[tilespmem:$0x135A0] =	vst v63  }
0x107: {  	s12 =	sadd.s32 s2, s12  }
0x108: {  	[tilespmem:s6], [sflag:$0xB] =	stream.linear.gather [hbm4b:s12+s5], $0x50, $0x38;
	[tilespmem:$0x135A0] =	vst v63  }
0x109: {  	_ =	swait.ge [sflag:s23], $0x2800  }
0x10a: {  	s19 =	rddreg [dreg:$0x7]  }
0x10b: {  	[sflag:s23] =	ssyncset.done $0x0;
	s12 =	sadd.s32 s10, s19  }
0x10c: {  	s15 =	simm.s32 $0xD600;
	[sflag:s23] =	ssyncadd.s32 $0xFFFFD800;
	s25 =	sadd.s32 $0x14000, s12  }
0x10d: {  	[hbm4b:s25+s5] =	stream.linear.scatter [tilespmem:s15], [sflag:$0x7], $0x2800, $0x38;
	[tilespmem:$0x135A0] =	vst v63  }
0x10e: {  	_ =	swait.ge [sflag:s9], $0x50  }
0x10f: {  	[sflag:s9] =	ssyncset.done $0x0  }
0x110: {  	[sflag:s9] =	ssyncadd.s32 $0xFFFFFFB0  }
0x111: {  	_ =	swait.ge [sflag:s9], $0x50  }
0x112: {  	[sflag:s9] =	ssyncset.done $0x0  }
0x113: {  	[sflag:s9] =	ssyncadd.s32 $0xFFFFFFB0  }
0x114: {  	v0 =	vld [tilespmem:$0x8280];
	_ =	sdelay $0x5  }
0x115: {  	v1 =	vld [tilespmem:$0x8080]  }
0x116: {  	v2 =	vld [tilespmem:$0x8290]  }
0x117: {  	v0 =	vld.idx.msk [tilespmem:v0+s5+$0x0], $0xffff;
	_ =	sdelay $0x2  }
0x118: {  	v1 =	vmul.u32 $0x5, v1;
	_ =	sdelay $0x1  }
0x119: {  	v0 =	vadd.s32 v0, v1  }
0x11a: {  	v15 =	vld [tilespmem:$0x8090];
	v0 =	vadd.s32 $0xFFFFFFFB, v0  }
0x11b: {  	v17 =	vld [tilespmem:$0x82A0];
	[tilespmem:$0x8480] =	vst v0  }
0x11c: {  	v16 =	vld.idx.msk [tilespmem:v2+s5+$0x0], $0xffff;
	_ =	sdelay $0x2  }
0x11d: {  	v0 =	vmul.u32 $0x5, v15;
	_ =	sdelay $0x1  }
0x11e: {  	v0 =	vadd.s32 v16, v0  }
0x11f: {  	v18 =	vld [tilespmem:$0x80A0];
	v0 =	vadd.s32 $0xFFFFFFFB, v0  }
0x120: {  	v20 =	vld [tilespmem:$0x82B0];
	[tilespmem:$0x8490] =	vst v0  }
0x121: {  	v19 =	vld.idx.msk [tilespmem:v17+s5+$0x0], $0xffff;
	_ =	sdelay $0x2  }
0x122: {  	v0 =	vmul.u32 $0x5, v18;
	_ =	sdelay $0x1  }
0x123: {  	v0 =	vadd.s32 v19, v0  }
0x124: {  	v21 =	vld [tilespmem:$0x80B0];
	v0 =	vadd.s32 $0xFFFFFFFB, v0  }
0x125: {  	v23 =	vld [tilespmem:$0x82C0];
	[tilespmem:$0x84A0] =	vst v0  }
0x126: {  	v22 =	vld.idx.msk [tilespmem:v20+s5+$0x0], $0xffff;
	_ =	sdelay $0x2  }
0x127: {  	v0 =	vmul.u32 $0x5, v21;
	_ =	sdelay $0x1  }
0x128: {  	v0 =	vadd.s32 v22, v0  }
0x129: {  	v24 =	vld [tilespmem:$0x80C0];
	v0 =	vadd.s32 $0xFFFFFFFB, v0  }
0x12a: {  	[tilespmem:$0x84B0] =	vst v0  }
0x12b: {  	v0 =	vld.idx.msk [tilespmem:v23+s5+$0x0], $0xffff;
	_ =	sdelay $0x2  }
0x12c: {  	v1 =	vmul.u32 $0x5, v24;
	_ =	sdelay $0x1  }
0x12d: {  	v0 =	vadd.s32 v0, v1  }
0x12e: {  	v0 =	vadd.s32 $0xFFFFFFFB, v0  }
0x12f: {  	s13 =	sadd.s32 $0x20, s8;
	[tilespmem:$0x84C0] =	vst v0  }
0x130: {  	p1 =	slt.s32 s13, $0x30D3;
	_ =	swait.ge [sflag:s24], $0x2800  }
0x131: {  	s13 =	simm.s32 @!p1 $0x30D3;
	[sflag:s24] =	ssyncset.done $0x0  }
0x132: {  	s13 =	smul.u32 $0xA, s13;
	[sflag:s24] =	ssyncadd.s32 $0xFFFFD800  }
0x133: {  	[tilespmem:s16], [sflag:$0x2] =	stream.indirect.gather [spmem:s4], $0x80, s20, s1, $0xb8;
	[tilespmem:$0x135A0] =	vst v63  }
0x134: {  	s19 =	sadd.s32 s0, s13  }
0x135: {  	[tilespmem:s26], [sflag:$0xC] =	stream.linear.gather [hbm4b:s19+s5], $0x50, $0x38;
	[tilespmem:$0x135A0] =	vst v63  }
0x136: {  	s13 =	sadd.s32 s2, s13;
	s19 =	simm.s32 $0x8380  }
0x137: {  	[tilespmem:s19], [sflag:$0xC] =	stream.linear.gather [hbm4b:s13+s5], $0x50, $0x38;
	[tilespmem:$0x135A0] =	vst v63  }
0x138: {  	_ =	swait.ge [sflag:s30], $0x2800  }
0x139: {  	[sflag:s30] =	ssyncset.done $0x0  }
0x13a: {  	s25 =	sadd.s32 $0x1E000, s12;
	s19 =	simm.s32 $0xFE00;
	[sflag:s30] =	ssyncadd.s32 $0xFFFFD800  }
0x13b: {  	[hbm4b:s25+s5] =	stream.linear.scatter [tilespmem:s19], [sflag:$0x8], $0x2800, $0x38;
	[tilespmem:$0x135A0] =	vst v63  }
0x13c: {  	_ =	swait.ge [sflag:s14], $0x50  }
0x13d: {  	[sflag:s14] =	ssyncset.done $0x0  }
0x13e: {  	[sflag:s14] =	ssyncadd.s32 $0xFFFFFFB0  }
0x13f: {  	_ =	swait.ge [sflag:s14], $0x50  }
0x140: {  	[sflag:s14] =	ssyncset.done $0x0  }
0x141: {  	[sflag:s14] =	ssyncadd.s32 $0xFFFFFFB0  }
0x142: {  	v25 =	vld [tilespmem:$0x8300];
	_ =	sdelay $0x5  }
0x143: {  	v26 =	vld [tilespmem:$0x8100]  }
0x144: {  	v27 =	vld [tilespmem:$0x8310]  }
0x145: {  	v0 =	vld.idx.msk [tilespmem:v25+s5+$0x0], $0xffff;
	_ =	sdelay $0x2  }
0x146: {  	v1 =	vmul.u32 $0x5, v26;
	_ =	sdelay $0x1  }
0x147: {  	v0 =	vadd.s32 v0, v1  }
0x148: {  	v28 =	vld [tilespmem:$0x8110];
	v0 =	vadd.s32 $0xFFFFFFFB, v0  }
0x149: {  	v30 =	vld [tilespmem:$0x8320];
	[tilespmem:$0x8500] =	vst v0  }
0x14a: {  	v29 =	vld.idx.msk [tilespmem:v27+s5+$0x0], $0xffff;
	_ =	sdelay $0x2  }
0x14b: {  	v0 =	vmul.u32 $0x5, v28;
	_ =	sdelay $0x1  }
0x14c: {  	v0 =	vadd.s32 v29, v0  }
0x14d: {  	v31 =	vld [tilespmem:$0x8120];
	v0 =	vadd.s32 $0xFFFFFFFB, v0  }
0x14e: {  	v33 =	vld [tilespmem:$0x8330];
	[tilespmem:$0x8510] =	vst v0  }
0x14f: {  	v32 =	vld.idx.msk [tilespmem:v30+s5+$0x0], $0xffff;
	_ =	sdelay $0x2  }
0x150: {  	v0 =	vmul.u32 $0x5, v31;
	_ =	sdelay $0x1  }
0x151: {  	v0 =	vadd.s32 v32, v0  }
0x152: {  	v34 =	vld [tilespmem:$0x8130];
	v0 =	vadd.s32 $0xFFFFFFFB, v0  }
0x153: {  	v36 =	vld [tilespmem:$0x8340];
	[tilespmem:$0x8520] =	vst v0  }
0x154: {  	v35 =	vld.idx.msk [tilespmem:v33+s5+$0x0], $0xffff;
	_ =	sdelay $0x2  }
0x155: {  	v0 =	vmul.u32 $0x5, v34;
	_ =	sdelay $0x1  }
0x156: {  	v0 =	vadd.s32 v35, v0  }
0x157: {  	v37 =	vld [tilespmem:$0x8140];
	v0 =	vadd.s32 $0xFFFFFFFB, v0  }
0x158: {  	[tilespmem:$0x8530] =	vst v0  }
0x159: {  	v0 =	vld.idx.msk [tilespmem:v36+s5+$0x0], $0xffff;
	_ =	sdelay $0x2  }
0x15a: {  	v1 =	vmul.u32 $0x5, v37;
	_ =	sdelay $0x1  }
0x15b: {  	v0 =	vadd.s32 v0, v1  }
0x15c: {  	v0 =	vadd.s32 $0xFFFFFFFB, v0  }
0x15d: {  	s13 =	sadd.s32 $0x40, s8;
	[tilespmem:$0x8540] =	vst v0  }
0x15e: {  	p1 =	slt.s32 s13, $0x30D3;
	_ =	swait.ge [sflag:s3], $0x2800  }
0x15f: {  	s13 =	simm.s32 @!p1 $0x30D3;
	[sflag:s3] =	ssyncset.done $0x0  }
0x160: {  	s13 =	smul.u32 $0xA, s13;
	s25 =	simm.s32 $0x8500;
	[sflag:s3] =	ssyncadd.s32 $0xFFFFD800  }
0x161: {  	[tilespmem:s15], [sflag:$0x3] =	stream.indirect.gather [spmem:s4], $0x80, s25, s1, $0xb8;
	[tilespmem:$0x135A0] =	vst v63  }
0x162: {  	s25 =	sadd.s32 s0, s13;
	s15 =	simm.s32 $0x8000  }
0x163: {  	[tilespmem:s15], [sflag:$0x9] =	stream.linear.gather [hbm4b:s25+s5], $0x50, $0x38;
	[tilespmem:$0x135A0] =	vst v63  }
0x164: {  	s13 =	sadd.s32 s2, s13  }
0x165: {  	[tilespmem:s28], [sflag:$0x9] =	stream.linear.gather [hbm4b:s13+s5], $0x50, $0x38;
	[tilespmem:$0x135A0] =	vst v63  }
0x166: {  	_ =	swait.ge [sflag:s17], $0x2800  }
0x167: {  	[sflag:s17] =	ssyncset.done $0x0  }
0x168: {  	s25 =	sadd.s32 $0x28000, s12;
	[sflag:s17] =	ssyncadd.s32 $0xFFFFD800  }
0x169: {  	[hbm4b:s25+s5] =	stream.linear.scatter [tilespmem:s11], [sflag:$0x5], $0x2800, $0x38;
	[tilespmem:$0x135A0] =	vst v63  }
0x16a: {  	_ =	swait.ge [sflag:s18], $0x50  }
0x16b: {  	[sflag:s18] =	ssyncset.done $0x0  }
0x16c: {  	[sflag:s18] =	ssyncadd.s32 $0xFFFFFFB0  }
0x16d: {  	_ =	swait.ge [sflag:s18], $0x50  }
0x16e: {  	[sflag:s18] =	ssyncset.done $0x0  }
0x16f: {  	[sflag:s18] =	ssyncadd.s32 $0xFFFFFFB0  }
0x170: {  	v38 =	vld [tilespmem:$0x8380];
	_ =	sdelay $0x5  }
0x171: {  	v39 =	vld [tilespmem:$0x8180]  }
0x172: {  	v40 =	vld [tilespmem:$0x8390]  }
0x173: {  	v0 =	vld.idx.msk [tilespmem:v38+s5+$0x0], $0xffff;
	_ =	sdelay $0x2  }
0x174: {  	v1 =	vmul.u32 $0x5, v39;
	_ =	sdelay $0x1  }
0x175: {  	v0 =	vadd.s32 v0, v1  }
0x176: {  	v41 =	vld [tilespmem:$0x8190];
	v0 =	vadd.s32 $0xFFFFFFFB, v0  }
0x177: {  	v43 =	vld [tilespmem:$0x83A0];
	[tilespmem:$0x8580] =	vst v0  }
0x178: {  	v42 =	vld.idx.msk [tilespmem:v40+s5+$0x0], $0xffff;
	_ =	sdelay $0x2  }
0x179: {  	v0 =	vmul.u32 $0x5, v41;
	_ =	sdelay $0x1  }
0x17a: {  	v0 =	vadd.s32 v42, v0  }
0x17b: {  	v44 =	vld [tilespmem:$0x81A0];
	v0 =	vadd.s32 $0xFFFFFFFB, v0  }
0x17c: {  	v46 =	vld [tilespmem:$0x83B0];
	[tilespmem:$0x8590] =	vst v0  }
0x17d: {  	v45 =	vld.idx.msk [tilespmem:v43+s5+$0x0], $0xffff;
	_ =	sdelay $0x2  }
0x17e: {  	v0 =	vmul.u32 $0x5, v44;
	_ =	sdelay $0x1  }
0x17f: {  	v0 =	vadd.s32 v45, v0  }
0x180: {  	v47 =	vld [tilespmem:$0x81B0];
	v0 =	vadd.s32 $0xFFFFFFFB, v0  }
0x181: {  	v49 =	vld [tilespmem:$0x83C0];
	[tilespmem:$0x85A0] =	vst v0  }
0x182: {  	v48 =	vld.idx.msk [tilespmem:v46+s5+$0x0], $0xffff;
	_ =	sdelay $0x2  }
0x183: {  	v0 =	vmul.u32 $0x5, v47;
	_ =	sdelay $0x1  }
0x184: {  	v0 =	vadd.s32 v48, v0  }
0x185: {  	v50 =	vld [tilespmem:$0x81C0];
	v0 =	vadd.s32 $0xFFFFFFFB, v0  }
0x186: {  	[tilespmem:$0x85B0] =	vst v0  }
0x187: {  	v0 =	vld.idx.msk [tilespmem:v49+s5+$0x0], $0xffff;
	_ =	sdelay $0x2  }
0x188: {  	v1 =	vmul.u32 $0x5, v50;
	_ =	sdelay $0x1  }
0x189: {  	v0 =	vadd.s32 v0, v1  }
0x18a: {  	v0 =	vadd.s32 $0xFFFFFFFB, v0  }
0x18b: {  	s13 =	sadd.s32 $0x60, s8;
	[tilespmem:$0x85C0] =	vst v0  }
0x18c: {  	p1 =	slt.s32 s13, $0x30D3;
	_ =	swait.ge [sflag:s7], $0x2800  }
0x18d: {  	s13 =	simm.s32 @!p1 $0x30D3;
	[sflag:s7] =	ssyncset.done $0x0  }
0x18e: {  	s13 =	smul.u32 $0xA, s13;
	s25 =	simm.s32 $0x8580;
	[sflag:s7] =	ssyncadd.s32 $0xFFFFD800  }
0x18f: {  	[tilespmem:s19], [sflag:$0x4] =	stream.indirect.gather [spmem:s4], $0x80, s25, s1, $0xb8;
	[tilespmem:$0x135A0] =	vst v63  }
0x190: {  	s25 =	sadd.s32 s0, s13;
	s19 =	simm.s32 $0x8080  }
0x191: {  	[tilespmem:s19], [sflag:$0xA] =	stream.linear.gather [hbm4b:s25+s5], $0x50, $0x38;
	[tilespmem:$0x135A0] =	vst v63  }
0x192: {  	s13 =	sadd.s32 s2, s13;
	s19 =	simm.s32 $0x8280  }
0x193: {  	[tilespmem:s19], [sflag:$0xA] =	stream.linear.gather [hbm4b:s13+s5], $0x50, $0x38;
	[tilespmem:$0x135A0] =	vst v63  }
0x194: {  	_ =	swait.ge [sflag:s21], $0x2800  }
0x195: {  	[sflag:s21] =	ssyncset.done $0x0  }
0x196: {  	s12 =	sadd.s32 $0x32000, s12;
	[sflag:s21] =	ssyncadd.s32 $0xFFFFD800  }
0x197: {  	[hbm4b:s12+s5] =	stream.linear.scatter [tilespmem:s16], [sflag:$0x6], $0x2800, $0x38;
	[tilespmem:$0x135A0] =	vst v63  }
0x198: {  	_ =	swait.ge [sflag:s31], $0x50  }
0x199: {  	[sflag:s31] =	ssyncset.done $0x0  }
0x19a: {  	[sflag:s31] =	ssyncadd.s32 $0xFFFFFFB0  }
0x19b: {  	_ =	swait.ge [sflag:s31], $0x50  }
0x19c: {  	[sflag:s31] =	ssyncset.done $0x0  }
0x19d: {  	[sflag:s31] =	ssyncadd.s32 $0xFFFFFFB0  }
0x19e: {  	v51 =	vld [tilespmem:$0x8200];
	_ =	sdelay $0x5  }
0x19f: {  	v52 =	vld [tilespmem:$0x8000]  }
0x1a0: {  	v53 =	vld [tilespmem:$0x8210]  }
0x1a1: {  	v0 =	vld.idx.msk [tilespmem:v51+s5+$0x0], $0xffff;
	_ =	sdelay $0x2  }
0x1a2: {  	v1 =	vmul.u32 $0x5, v52;
	_ =	sdelay $0x1  }
0x1a3: {  	v0 =	vadd.s32 v0, v1  }
0x1a4: {  	v54 =	vld [tilespmem:$0x8010];
	v0 =	vadd.s32 $0xFFFFFFFB, v0  }
0x1a5: {  	v56 =	vld [tilespmem:$0x8220];
	[tilespmem:$0x8400] =	vst v0  }
0x1a6: {  	v55 =	vld.idx.msk [tilespmem:v53+s5+$0x0], $0xffff;
	_ =	sdelay $0x2  }
0x1a7: {  	v0 =	vmul.u32 $0x5, v54;
	_ =	sdelay $0x1  }
0x1a8: {  	v0 =	vadd.s32 v55, v0  }
0x1a9: {  	v57 =	vld [tilespmem:$0x8020];
	v0 =	vadd.s32 $0xFFFFFFFB, v0  }
0x1aa: {  	v59 =	vld [tilespmem:$0x8230];
	[tilespmem:$0x8410] =	vst v0  }
0x1ab: {  	v58 =	vld.idx.msk [tilespmem:v56+s5+$0x0], $0xffff;
	_ =	sdelay $0x2  }
0x1ac: {  	v0 =	vmul.u32 $0x5, v57;
	_ =	sdelay $0x1  }
0x1ad: {  	v0 =	vadd.s32 v58, v0  }
0x1ae: {  	v60 =	vld [tilespmem:$0x8030];
	v0 =	vadd.s32 $0xFFFFFFFB, v0  }
0x1af: {  	v62 =	vld [tilespmem:$0x8240];
	[tilespmem:$0x8420] =	vst v0  }
0x1b0: {  	v61 =	vld.idx.msk [tilespmem:v59+s5+$0x0], $0xffff;
	_ =	sdelay $0x2  }
0x1b1: {  	v0 =	vmul.u32 $0x5, v60;
	_ =	sdelay $0x1  }
0x1b2: {  	v0 =	vadd.s32 v61, v0  }
0x1b3: {  	v63 =	vld [tilespmem:$0x8040];
	v0 =	vadd.s32 $0xFFFFFFFB, v0  }
0x1b4: {  	[tilespmem:$0x8430] =	vst v0  }
0x1b5: {  	v0 =	vld.idx.msk [tilespmem:v62+s5+$0x0], $0xffff;
	_ =	sdelay $0x1  }
0x1b6: {  	p1 =	sne.s32 s10, $0xF00000  }
.Ltmp0:
0x1b7: {  	v1 =	vmul.u32 $0x5, v63;
	(pc) =	sbr.rel @p1 .LBB2_2-.Ltmp0, $4  }
0x1b8: {  	_ = 	snop  }
0x1b9: {  	v0 =	vadd.s32 v0, v1  }
0x1ba: {  	s29 =	simm.s32 $0xD600;
	s15 =	simm.s32 $0xFE00;
	v0 =	vadd.s32 $0xFFFFFFFB, v0  }
0x1bb: {  	s8 =	sadd.s32 $0x80, s8;
	s10 =	sadd.s32 $0x28000, s10;
	s25 =	simm.s32 $0x8400;
	[tilespmem:$0x8440] =	vst v0  }
0x1bc: {  	_ =	swait.ge [sflag:s23], $0x2800  }
0x1bd: {  	[sflag:s23] =	ssyncset.done $0x0  }
0x1be: {  	s8 =	rddreg [dreg:$0x17];
	[sflag:s23] =	ssyncadd.s32 $0xFFFFD800  }
0x1bf: {  	[hbm4b:s8+s5] =	stream.linear.scatter [tilespmem:s29], [sflag:$0x7], $0x2800, $0x38;
	[tilespmem:$0x135A0] =	vst v63  }
0x1c0: {  	_ =	swait.ge [sflag:s30], $0x2800  }
0x1c1: {  	[sflag:s30] =	ssyncset.done $0x0  }
0x1c2: {  	s20 =	rddreg [dreg:$0x18];
	[sflag:s30] =	ssyncadd.s32 $0xFFFFD800  }
0x1c3: {  	[hbm4b:s20+s5] =	stream.linear.scatter [tilespmem:s15], [sflag:$0x8], $0x2800, $0x38;
	[tilespmem:$0x135A0] =	vst v63  }
0x1c4: {  	_ =	swait.ge [sflag:s22], $0x2800  }
0x1c5: {  	[sflag:s22] =	ssyncset.done $0x0  }
0x1c6: {  	[sflag:s22] =	ssyncadd.s32 $0xFFFFD800  }
0x1c7: {  	_ =	swait.ge [sflag:s24], $0x2800  }
0x1c8: {  	[sflag:s24] =	ssyncset.done $0x0  }
0x1c9: {  	[sflag:s24] =	ssyncadd.s32 $0xFFFFD800  }
0x1ca: {  	_ =	swait.ge [sflag:s3], $0x2800  }
0x1cb: {  	[sflag:s3] =	ssyncset.done $0x0  }
0x1cc: {  	[sflag:s3] =	ssyncadd.s32 $0xFFFFD800  }
0x1cd: {  	_ =	swait.ge [sflag:s7], $0x2800  }
0x1ce: {  	s10 =	rddreg [dreg:$0x1b]  }
0x1cf: {  	s26 =	rddreg [dreg:$0x19];
	s10 =	sadd.s32 $0x1, s10  }
0x1d0: {  	p1 =	sne.s32 s10, s26  }
.Ltmp1:
0x1d1: {  	_ = 	snop;
	(pc) =	sbr.rel @p1 .LBB2_1-.Ltmp1, $4  }
0x1d2: {  	s13 =	simm.s32 $0x8000;
	s28 =	simm.s32 $0x8100  }
0x1d3: {  	s12 =	simm.s32 $0x8080;
	s6 =	simm.s32 $0x8300;
	s11 =	simm.s32 $0x8600  }
0x1d4: {  	s16 =	simm.s32 $0xAE00;
	s19 =	simm.s32 $0x8180;
	[sflag:s7] =	ssyncset.done $0x0  }
0x1d5: {  	s20 =	simm.s32 $0x8480;
	[sflag:s7] =	ssyncadd.s32 $0xFFFFD800;
	s26 =	simm.s32 $0x8200  }
0x1d6: {  	_ =	sfence.sel $0x180000  }
0x1d7: {  	[bflag:$0x0] =	sbarrier.arrive $0xFFFF  }
0x1d8: {  	_ =	strace $0x90000047  }
0x1d9: {  	[bflag:$0x2] =	sbarrier.arrive $0xFFFF  }
0x1da: {  	s0 =	rddreg [dreg:$0x6]  }
0x1db: {  	s0 =	sadd.s32 @!p0 $0x100000, s0  }
0x1dc: {  	[sflag:s0] =	ssyncadd.tile.s32 @!p0 $0x1;
	_ =	shalt  }
.Lfunc_end2:
_tile_overlayer_lowered:
.L_overlay_start_2:
0x1dd: {  	(tag) =	ssettag $0x2  }
0x1de: {  	s0 =	rddreg [dreg:$0x0];
	s2 =	stileid.u32  }
0x1df: {  	s1 =	rddreg [dreg:$0x1];
	p0 =	sne.s32 s2, $0x0  }
0x1e0: {  	s3 =	rddreg [dreg:$0x2];
	[bflag:$0x3] =	sbarrier.arrive $0xFFFF;
	s2 =	simm.s32 @!p0 $0x1C0D  }
0x1e1: {  	[timem:s3], [sflag:s2] =	dma.local @!p0 [hbm:s0], s1  }
0x1e2: {  	s0 =	simm.s32 @!p0 $0xD  }
0x1e3: {  	_ =	swait.ge @!p0 [sflag:s0], s1  }
0x1e4: {  	s1 =	ssub.s32 @!p0 $0x0, s1;
	[sflag:s0] =	ssyncset.done @!p0 $0x0  }
0x1e5: {  	[sflag:s0] =	ssyncadd.s32 @!p0 s1  }
0x1e6: {  	[bflag:$0x3] =	sbarrier.arrive $0xFFFF  }
0x1e7: {  	_ =	shalt  }

</sc_bundles>
